<compile_context>
chip_gen: v7x
topology: tpu7x:2x2x1
jax: 0.10.2.dev20260603
libtpu: 0.0.44.dev20260713+nightly
codegen_flags: <defaults>
</compile_context>

<pallas_src>
import functools

import jax
import jax.numpy as jnp
from jax import lax
from jax.experimental import pallas as pl
from jax.experimental.pallas import tpu as pltpu
from jax.experimental.pallas import tpu_sc as plsc

B = 4096
N = 16384
L = 16
NC = 2
NS = 16
NW = NC * NS
ROWS_PER_W = B // NW
KU = 8
BU = 8
JBITS = 14
JMASK = (1 << JBITS) - 1


@functools.cache
def _build(nnzp: int):
    mesh = plsc.VectorSubcoreMesh(
        core_axis_name="c", subcore_axis_name="s", num_cores=NC, num_subcores=NS
    )

    @functools.partial(
        pl.kernel,
        out_type=jax.ShapeDtypeStruct((B, N), jnp.float32),
        mesh=mesh,
        compiler_params=pltpu.CompilerParams(needs_layout_passes=False),
        scratch_types=[
            pltpu.VMEM((nnzp,), jnp.int32),
            pltpu.VMEM((nnzp,), jnp.int32),
            pltpu.VMEM((nnzp,), jnp.float32),
            pltpu.VMEM((N,), jnp.float32),
            pltpu.VMEM((N,), jnp.float32),
            pltpu.VMEM((N,), jnp.float32),
            pltpu.VMEM((N,), jnp.float32),
            pltpu.VMEM((N,), jnp.float32),
            pltpu.SemaphoreType.DMA,
            pltpu.SemaphoreType.DMA,
            pltpu.SemaphoreType.DMA,
            pltpu.SemaphoreType.DMA,
        ],
    )
    def sc_kernel(inputs_hbm, w3_hbm, b_hbm, vel_hbm, packed_hbm, perm_hbm,
                  out_hbm,
                  packed, perm, vals, biasv, x0, x1, y0, y1,
                  sx0, sx1, sy0, sy1):
        wid = lax.axis_index("s") * NC + lax.axis_index("c")
        row0 = wid * ROWS_PER_W

        pltpu.async_copy(packed_hbm, packed, sx0)
        pltpu.async_copy(perm_hbm, perm, sx0)
        pltpu.async_copy(w3_hbm, y0.at[pl.ds(0, nnzp)], sx0)
        pltpu.async_copy(vel_hbm, x0, sx0)
        pltpu.async_copy(b_hbm, biasv, sx0)
        pltpu.make_async_copy(packed_hbm, packed, sx0).wait()
        pltpu.make_async_copy(perm_hbm, perm, sx0).wait()
        pltpu.make_async_copy(w3_hbm, y0.at[pl.ds(0, nnzp)], sx0).wait()
        pltpu.make_async_copy(vel_hbm, x0, sx0).wait()
        pltpu.make_async_copy(b_hbm, biasv, sx0).wait()

        @plsc.parallel_loop(0, nnzp // L, unroll=KU)
        def perm_body(t):
            o = t * L
            pv = perm[pl.ds(o, L)]
            pk2 = plsc.load_gather(packed, [pv])
            w = plsc.load_gather(y0, [pv])
            g = plsc.load_gather(x0, [lax.bitwise_and(pk2, JMASK)])
            y1[pl.ds(o, L)] = plsc.bitcast(pk2, jnp.float32)
            vals[pl.ds(o, L)] = w * g

        @plsc.parallel_loop(0, nnzp // L, unroll=KU)
        def copyback_body(t):
            o = t * L
            packed[pl.ds(o, L)] = plsc.bitcast(y1[pl.ds(o, L)], jnp.int32)

        def bias_init(ybuf):
            @plsc.parallel_loop(0, N // L, unroll=BU)
            def bias_body(i):
                o = i * L
                ybuf[pl.ds(o, L)] = biasv[pl.ds(o, L)]

        def k_loop(xbuf, ybuf):
            @plsc.parallel_loop(0, nnzp // L, unroll=KU)
            def k_body(t):
                o = t * L
                pk = packed[pl.ds(o, L)]
                jv = lax.bitwise_and(pk, JMASK)
                iv = lax.shift_right_logical(pk, JBITS)
                g = plsc.load_gather(xbuf, [jv])
                plsc.addupdate_scatter(ybuf, [iv], vals[pl.ds(o, L)] * g)

        pltpu.async_copy(inputs_hbm.at[row0], x0, sx0)

        def pair_body(p, c):
            ra = row0 + 2 * p
            rb = ra + 1
            pltpu.make_async_copy(inputs_hbm.at[ra], x0, sx0).wait()
            pltpu.async_copy(inputs_hbm.at[rb], x1, sx1)

            @pl.when(p > 0)
            def _():
                pltpu.make_async_copy(y0, out_hbm.at[ra - 2], sy0).wait()

            bias_init(y0)
            k_loop(x0, y0)
            pltpu.async_copy(y0, out_hbm.at[ra], sy0)

            pltpu.make_async_copy(inputs_hbm.at[rb], x1, sx1).wait()

            @pl.when(p < ROWS_PER_W // 2 - 1)
            def _():
                pltpu.async_copy(inputs_hbm.at[ra + 2], x0, sx0)

            @pl.when(p > 0)
            def _():
                pltpu.make_async_copy(y1, out_hbm.at[rb - 2], sy1).wait()

            bias_init(y1)
            k_loop(x1, y1)
            pltpu.async_copy(y1, out_hbm.at[rb], sy1)
            return c

        lax.fori_loop(0, ROWS_PER_W // 2, pair_body, 0)
        last = row0 + ROWS_PER_W
        pltpu.make_async_copy(y0, out_hbm.at[last - 2], sy0).wait()
        pltpu.make_async_copy(y1, out_hbm.at[last - 1], sy1).wait()

    return sc_kernel


def kernel(inputs, W3, b, velocity, I, J):
    nnz = W3.shape[0]
    chunk = L * KU
    nnzp = ((nnz + chunk - 1) // chunk) * chunk
    pad = nnzp - nnz
    I32 = I.astype(jnp.int32)
    J32 = J.astype(jnp.int32)
    packed = jnp.left_shift(I32, JBITS) | J32
    pad_packed = jnp.left_shift(jnp.arange(pad, dtype=jnp.int32), JBITS)
    packed = jnp.concatenate([packed, pad_packed])
    W3p = jnp.concatenate([W3, jnp.zeros((pad,), jnp.float32)])
    ar = jnp.arange(nnz, dtype=jnp.int32)
    first = jnp.concatenate(
        [jnp.ones((1,), jnp.bool_), I32[1:] != I32[:-1]])
    seg_base = lax.cummax(jnp.where(first, ar, 0))
    rank = ar - seg_base
    perm = jnp.argsort(rank, stable=True).astype(jnp.int32)
    perm = jnp.concatenate([perm, jnp.arange(nnz, nnzp, dtype=jnp.int32)])
    return _build(nnzp)(inputs, W3p, b, velocity, packed, perm)

# --- scband reference (transcript-rebuilt; emitter-appended) ---
"""Pipeline reference for scband-utop-layer-11295763988480 (READ-ONLY COPY).

The authoritative reference and input builder live on the scoring server;
editing this copy changes nothing except your own understanding.
"""

import jax, jax.numpy as jnp
import numpy as np

B = 4096
N = 16384  # input_dim == output_dim
NNZ = 12300  # hardcoded in the original build()


def setup_inputs(seed: int = 0) -> dict:
    key = jax.random.key(seed)
    k1, k2, k3, k4, k5 = jax.random.split(key, 5)
    inputs = jax.random.normal(k1, (B, N), dtype=jnp.float32)
    # truncnorm(-2*std, 2*std, loc=0, scale=std=0.01)
    W3 = jax.random.truncated_normal(k2, -2.0, 2.0, (NNZ,), dtype=jnp.float32) * 0.01
    b = jnp.zeros((N,), dtype=jnp.float32)
    # stands in for 1250 * velocity[2, :] loaded from CSV
    velocity = jax.random.uniform(k3, (N,), dtype=jnp.float32) * 1250.0
    # stands in for (I, J) = wind.nonzero(); nonzero() yields row-major (lexicographically
    # sorted) indices, so sort I to mimic a valid tf.SparseTensor ordering
    I = jnp.sort(jax.random.randint(k4, (NNZ,), 0, N, dtype=jnp.int32))
    J = jax.random.randint(k5, (NNZ,), 0, N, dtype=jnp.int32)
    return {"inputs": inputs, "W3": W3, "b": b, "velocity": velocity, "I": I, "J": J}


def reference(inputs, W3, b, velocity, I, J):
    # sparse_w3 = SparseTensor(indices=(I,J), values=W3, shape=[N, N])
    # sp_w3 = sparse_w3 * velocity  (broadcast over columns -> scale value (i,j) by velocity[j])
    vals = W3 * jnp.take(velocity, J, axis=0)  # [NNZ]
    # result = (sp_w3 @ inputs^T)^T + b
    gathered = jnp.take(inputs, J, axis=1)      # [B, NNZ]
    contrib = vals[:, None] * gathered.T        # [NNZ, B]
    out = jax.ops.segment_sum(contrib, I, num_segments=inputs.shape[1])  # [N, B]
    return out.T + b                             # [B, N]

if __name__ == "__main__":
    import jax
    _d = setup_inputs()
    print(jax.jit(kernel)(*tuple(_d.values())))

</pallas_src>

<mosaic_0001>
#map = affine_map<(d0, d1) -> (0, 0)>
#map1 = affine_map<(d0, d1) -> (0)>
module attributes {stable_mosaic.version = 14 : i64} {
  func.func @sc_kernel(%arg0: i32, %arg1: i32, %arg2: memref<4096x16384xf32, #tpu.memory_space<hbm>>, %arg3: memref<12416xf32, #tpu.memory_space<hbm>>, %arg4: memref<16384xf32, #tpu.memory_space<hbm>>, %arg5: memref<16384xf32, #tpu.memory_space<hbm>>, %arg6: memref<12416xi32, #tpu.memory_space<hbm>>, %arg7: memref<12416xi32, #tpu.memory_space<hbm>>, %arg8: memref<4096x16384xf32, #tpu.memory_space<hbm>>, %arg9: memref<12416xi32, #tpu.memory_space<vmem>>, %arg10: memref<12416xi32, #tpu.memory_space<vmem>>, %arg11: memref<12416xf32, #tpu.memory_space<vmem>>, %arg12: memref<16384xf32, #tpu.memory_space<vmem>>, %arg13: memref<16384xf32, #tpu.memory_space<vmem>>, %arg14: memref<16384xf32, #tpu.memory_space<vmem>>, %arg15: memref<16384xf32, #tpu.memory_space<vmem>>, %arg16: memref<16384xf32, #tpu.memory_space<vmem>>, %arg17: memref<!tpu.dma_semaphore, #tpu.memory_space<semaphore_mem>>, %arg18: memref<!tpu.dma_semaphore, #tpu.memory_space<semaphore_mem>>, %arg19: memref<!tpu.dma_semaphore, #tpu.memory_space<semaphore_mem>>, %arg20: memref<!tpu.dma_semaphore, #tpu.memory_space<semaphore_mem>>) attributes {dimension_semantics = [#tpu.dimension_semantics<core_parallel>, #tpu.dimension_semantics<subcore_parallel>], iteration_bounds = array<i64: 2, 16>, scalar_prefetch = 0 : i64, scratch_operands = 12 : i64, tpu.core_type = #tpu.core_type<sc_vector_subcore>, window_params = [{transform_indices = #map}, {transform_indices = #map1}, {transform_indices = #map1}, {transform_indices = #map1}, {transform_indices = #map1}, {transform_indices = #map1}, {transform_indices = #map}]} {
    %mul3A = arith.constant 2 : i32
    %mul3A_0 = arith.muli %arg1, %mul3A : i32
    %add3A = arith.addi %mul3A_0, %arg0 : i32
    %mul3A_1 = arith.constant 128 : i32
    %mul3A_2 = arith.muli %add3A, %mul3A_1 : i32
    tpu.enqueue_dma source(%arg6 : memref<12416xi32, #tpu.memory_space<hbm>>) target(%arg9 : memref<12416xi32, #tpu.memory_space<vmem>>) target_semaphore(%arg17 : memref<!tpu.dma_semaphore, #tpu.memory_space<semaphore_mem>>)
    tpu.enqueue_dma source(%arg7 : memref<12416xi32, #tpu.memory_space<hbm>>) target(%arg10 : memref<12416xi32, #tpu.memory_space<vmem>>) target_semaphore(%arg17 : memref<!tpu.dma_semaphore, #tpu.memory_space<semaphore_mem>>)
    %dma_start3A = arith.constant 0 : i32
    %dma_start3A_3 = tpu.memref_slice %arg15[%dma_start3A] : memref<16384xf32, #tpu.memory_space<vmem>> -> memref<12416xf32, #tpu.memory_space<vmem>>
    %dma_start3A_4 = arith.constant 0 : i32
    %dma_start3A_5 = tpu.memref_slice %arg15[%dma_start3A_4] : memref<16384xf32, #tpu.memory_space<vmem>> -> memref<12416xf32, #tpu.memory_space<vmem>>
    tpu.enqueue_dma source(%arg3 : memref<12416xf32, #tpu.memory_space<hbm>>) target(%dma_start3A_5 : memref<12416xf32, #tpu.memory_space<vmem>>) target_semaphore(%arg17 : memref<!tpu.dma_semaphore, #tpu.memory_space<semaphore_mem>>)
    tpu.enqueue_dma source(%arg5 : memref<16384xf32, #tpu.memory_space<hbm>>) target(%arg13 : memref<16384xf32, #tpu.memory_space<vmem>>) target_semaphore(%arg17 : memref<!tpu.dma_semaphore, #tpu.memory_space<semaphore_mem>>)
    tpu.enqueue_dma source(%arg4 : memref<16384xf32, #tpu.memory_space<hbm>>) target(%arg12 : memref<16384xf32, #tpu.memory_space<vmem>>) target_semaphore(%arg17 : memref<!tpu.dma_semaphore, #tpu.memory_space<semaphore_mem>>)
    tpu.wait_dma2 semaphore(%arg17 : memref<!tpu.dma_semaphore, #tpu.memory_space<semaphore_mem>>) src(%arg6 : memref<12416xi32, #tpu.memory_space<hbm>>) dst(%arg9 : memref<12416xi32, #tpu.memory_space<vmem>>)
    tpu.wait_dma2 semaphore(%arg17 : memref<!tpu.dma_semaphore, #tpu.memory_space<semaphore_mem>>) src(%arg7 : memref<12416xi32, #tpu.memory_space<hbm>>) dst(%arg10 : memref<12416xi32, #tpu.memory_space<vmem>>)
    %dma_wait3A = arith.constant 0 : i32
    %dma_wait3A_6 = tpu.memref_slice %arg15[%dma_wait3A] : memref<16384xf32, #tpu.memory_space<vmem>> -> memref<12416xf32, #tpu.memory_space<vmem>>
    %dma_wait3A_7 = arith.constant 0 : i32
    %dma_wait3A_8 = tpu.memref_slice %arg15[%dma_wait3A_7] : memref<16384xf32, #tpu.memory_space<vmem>> -> memref<12416xf32, #tpu.memory_space<vmem>>
    tpu.wait_dma2 semaphore(%arg17 : memref<!tpu.dma_semaphore, #tpu.memory_space<semaphore_mem>>) src(%arg3 : memref<12416xf32, #tpu.memory_space<hbm>>) dst(%dma_wait3A_8 : memref<12416xf32, #tpu.memory_space<vmem>>)
    tpu.wait_dma2 semaphore(%arg17 : memref<!tpu.dma_semaphore, #tpu.memory_space<semaphore_mem>>) src(%arg5 : memref<16384xf32, #tpu.memory_space<hbm>>) dst(%arg13 : memref<16384xf32, #tpu.memory_space<vmem>>)
    tpu.wait_dma2 semaphore(%arg17 : memref<!tpu.dma_semaphore, #tpu.memory_space<semaphore_mem>>) src(%arg4 : memref<16384xf32, #tpu.memory_space<hbm>>) dst(%arg12 : memref<16384xf32, #tpu.memory_space<vmem>>)
    %parallel_loop3A = arith.constant 0 : i32
    %parallel_loop3A_9 = arith.constant 776 : i32
    %parallel_loop3A_10 = arith.constant 1 : i32
    scf.for %parallel_loop3A_42 = %parallel_loop3A to %parallel_loop3A_9 step %parallel_loop3A_10  : i32 {
      %parallel_loop3A_43 = arith.constant 16 : i32
      %parallel_loop3A_44 = arith.muli %parallel_loop3A_42, %parallel_loop3A_43 : i32
      %parallel_loop3A_45 = arith.index_cast %parallel_loop3A_44 : i32 to index
      %parallel_loop3A_46 = tpu.vector_load %arg10[%parallel_loop3A_45] {strides = array<i32>} : memref<12416xi32, #tpu.memory_space<vmem>>, vector<16xi32>,
      %parallel_loop3A_47 = tpu.vector_load_idx %arg9[%parallel_loop3A_46] : memref<12416xi32, #tpu.memory_space<vmem>>[vector<16xi32>], vector<16xi32>,
      %parallel_loop3A_48 = tpu.vector_load_idx %arg15[%parallel_loop3A_46] : memref<16384xf32, #tpu.memory_space<vmem>>[vector<16xi32>], vector<16xf32>,
      %parallel_loop3A_49 = arith.constant 16383 : i32
      %parallel_loop3A_50 = vector.broadcast %parallel_loop3A_49 : i32 to vector<16xi32>
      %parallel_loop3A_51 = arith.andi %parallel_loop3A_47, %parallel_loop3A_50 : vector<16xi32>
      %parallel_loop3A_52 = tpu.vector_load_idx %arg13[%parallel_loop3A_51] : memref<16384xf32, #tpu.memory_space<vmem>>[vector<16xi32>], vector<16xf32>,
      %parallel_loop3A_53 = vector.bitcast %parallel_loop3A_47 : vector<16xi32> to vector<16xf32>
      %parallel_loop3A_54 = arith.index_cast %parallel_loop3A_44 : i32 to index
      %parallel_loop3A_55 = tpu.vector_load %arg16[%parallel_loop3A_54] {strides = array<i32>} : memref<16384xf32, #tpu.memory_space<vmem>>, vector<16xf32>,
      tpu.vector_store %arg16[%parallel_loop3A_54], %parallel_loop3A_53 {strides = array<i32>} : memref<16384xf32, #tpu.memory_space<vmem>>, vector<16xf32>,
      %parallel_loop3A_56 = arith.mulf %parallel_loop3A_48, %parallel_loop3A_52 : vector<16xf32>
      %parallel_loop3A_57 = arith.index_cast %parallel_loop3A_44 : i32 to index
      %parallel_loop3A_58 = tpu.vector_load %arg11[%parallel_loop3A_57] {strides = array<i32>} : memref<12416xf32, #tpu.memory_space<vmem>>, vector<16xf32>,
      tpu.vector_store %arg11[%parallel_loop3A_57], %parallel_loop3A_56 {strides = array<i32>} : memref<12416xf32, #tpu.memory_space<vmem>>, vector<16xf32>,
    } {sc.loop_unroll_factor = 8 : i64, sc.parallel_access}
    %parallel_loop3A_11 = arith.constant 0 : i32
    %parallel_loop3A_12 = arith.constant 776 : i32
    %parallel_loop3A_13 = arith.constant 1 : i32
    scf.for %parallel_loop3A_42 = %parallel_loop3A_11 to %parallel_loop3A_12 step %parallel_loop3A_13  : i32 {
      %parallel_loop3A_43 = arith.constant 16 : i32
      %parallel_loop3A_44 = arith.muli %parallel_loop3A_42, %parallel_loop3A_43 : i32
      %parallel_loop3A_45 = arith.index_cast %parallel_loop3A_44 : i32 to index
      %parallel_loop3A_46 = tpu.vector_load %arg16[%parallel_loop3A_45] {strides = array<i32>} : memref<16384xf32, #tpu.memory_space<vmem>>, vector<16xf32>,
      %parallel_loop3A_47 = vector.bitcast %parallel_loop3A_46 : vector<16xf32> to vector<16xi32>
      %parallel_loop3A_48 = arith.index_cast %parallel_loop3A_44 : i32 to index
      %parallel_loop3A_49 = tpu.vector_load %arg9[%parallel_loop3A_48] {strides = array<i32>} : memref<12416xi32, #tpu.memory_space<vmem>>, vector<16xi32>,
      tpu.vector_store %arg9[%parallel_loop3A_48], %parallel_loop3A_47 {strides = array<i32>} : memref<12416xi32, #tpu.memory_space<vmem>>, vector<16xi32>,
    } {sc.loop_unroll_factor = 8 : i64, sc.parallel_access}
    %dma_start3A_14 = arith.constant 0 : i32
    %dma_start3A_15 = tpu.memref_slice %arg2[%mul3A_2, %dma_start3A_14] : memref<4096x16384xf32, #tpu.memory_space<hbm>> -> memref<1x16384xf32, #tpu.memory_space<hbm>>
    %dma_start3A_16 = tpu.memref_squeeze %dma_start3A_15 : memref<1x16384xf32, #tpu.memory_space<hbm>> -> memref<16384xf32, #tpu.memory_space<hbm>>
    %dma_start3A_17 = arith.constant 0 : i32
    %dma_start3A_18 = tpu.memref_slice %arg2[%mul3A_2, %dma_start3A_17] : memref<4096x16384xf32, #tpu.memory_space<hbm>> -> memref<1x16384xf32, #tpu.memory_space<hbm>>
    %dma_start3A_19 = tpu.memref_squeeze %dma_start3A_18 : memref<1x16384xf32, #tpu.memory_space<hbm>> -> memref<16384xf32, #tpu.memory_space<hbm>>
    tpu.enqueue_dma source(%dma_start3A_19 : memref<16384xf32, #tpu.memory_space<hbm>>) target(%arg13 : memref<16384xf32, #tpu.memory_space<vmem>>) target_semaphore(%arg17 : memref<!tpu.dma_semaphore, #tpu.memory_space<semaphore_mem>>)
    %scan3A = arith.constant 0 : i32
    %scan3A_20 = arith.constant 0 : i32
    %scan3A_21 = arith.constant 64 : i32
    %scan3A_22 = arith.addi %scan3A_20, %scan3A_21 : i32
    %scan3A_23 = arith.constant 1 : i32
    scf.for %scan3A_42 = %scan3A_20 to %scan3A_22 step %scan3A_23  : i32 {
      %mul3A_43 = arith.constant 2 : i32
      %mul3A_44 = arith.muli %mul3A_43, %scan3A_42 : i32
      %add3A_45 = arith.addi %mul3A_2, %mul3A_44 : i32
      %add3A_46 = arith.constant 1 : i32
      %add3A_47 = arith.addi %add3A_45, %add3A_46 : i32
      %dma_wait3A_48 = arith.constant 0 : i32
      %dma_wait3A_49 = tpu.memref_slice %arg2[%add3A_45, %dma_wait3A_48] : memref<4096x16384xf32, #tpu.memory_space<hbm>> -> memref<1x16384xf32, #tpu.memory_space<hbm>>
      %dma_wait3A_50 = tpu.memref_squeeze %dma_wait3A_49 : memref<1x16384xf32, #tpu.memory_space<hbm>> -> memref<16384xf32, #tpu.memory_space<hbm>>
      %dma_wait3A_51 = arith.constant 0 : i32
      %dma_wait3A_52 = tpu.memref_slice %arg2[%add3A_45, %dma_wait3A_51] : memref<4096x16384xf32, #tpu.memory_space<hbm>> -> memref<1x16384xf32, #tpu.memory_space<hbm>>
      %dma_wait3A_53 = tpu.memref_squeeze %dma_wait3A_52 : memref<1x16384xf32, #tpu.memory_space<hbm>> -> memref<16384xf32, #tpu.memory_space<hbm>>
      tpu.wait_dma2 semaphore(%arg17 : memref<!tpu.dma_semaphore, #tpu.memory_space<semaphore_mem>>) src(%dma_wait3A_53 : memref<16384xf32, #tpu.memory_space<hbm>>) dst(%arg13 : memref<16384xf32, #tpu.memory_space<vmem>>)
      %dma_start3A_54 = arith.constant 0 : i32
      %dma_start3A_55 = tpu.memref_slice %arg2[%add3A_47, %dma_start3A_54] : memref<4096x16384xf32, #tpu.memory_space<hbm>> -> memref<1x16384xf32, #tpu.memory_space<hbm>>
      %dma_start3A_56 = tpu.memref_squeeze %dma_start3A_55 : memref<1x16384xf32, #tpu.memory_space<hbm>> -> memref<16384xf32, #tpu.memory_space<hbm>>
      %dma_start3A_57 = arith.constant 0 : i32
      %dma_start3A_58 = tpu.memref_slice %arg2[%add3A_47, %dma_start3A_57] : memref<4096x16384xf32, #tpu.memory_space<hbm>> -> memref<1x16384xf32, #tpu.memory_space<hbm>>
      %dma_start3A_59 = tpu.memref_squeeze %dma_start3A_58 : memref<1x16384xf32, #tpu.memory_space<hbm>> -> memref<16384xf32, #tpu.memory_space<hbm>>
      tpu.enqueue_dma source(%dma_start3A_59 : memref<16384xf32, #tpu.memory_space<hbm>>) target(%arg14 : memref<16384xf32, #tpu.memory_space<vmem>>) target_semaphore(%arg18 : memref<!tpu.dma_semaphore, #tpu.memory_space<semaphore_mem>>)
      %gt3A = arith.constant 0 : i32
      %gt3A_60 = arith.cmpi sgt, %scan3A_42, %gt3A : i32
      %convert_element_type3A = arith.extui %gt3A_60 : i1 to i32
      %cond3A = arith.constant 0 : i32
      %cond3A_61 = arith.cmpi ne, %convert_element_type3A, %cond3A : i32
      scf.if %cond3A_61 {
        %sub3A_101 = arith.constant 2 : i32
        %sub3A_102 = arith.subi %add3A_45, %sub3A_101 : i32
        %dma_wait3A_103 = arith.constant 0 : i32
        %dma_wait3A_104 = tpu.memref_slice %arg8[%sub3A_102, %dma_wait3A_103] : memref<4096x16384xf32, #tpu.memory_space<hbm>> -> memref<1x16384xf32, #tpu.memory_space<hbm>>
        %dma_wait3A_105 = tpu.memref_squeeze %dma_wait3A_104 : memref<1x16384xf32, #tpu.memory_space<hbm>> -> memref<16384xf32, #tpu.memory_space<hbm>>
        %dma_wait3A_106 = arith.constant 0 : i32
        %dma_wait3A_107 = tpu.memref_slice %arg8[%sub3A_102, %dma_wait3A_106] : memref<4096x16384xf32, #tpu.memory_space<hbm>> -> memref<1x16384xf32, #tpu.memory_space<hbm>>
        %dma_wait3A_108 = tpu.memref_squeeze %dma_wait3A_107 : memref<1x16384xf32, #tpu.memory_space<hbm>> -> memref<16384xf32, #tpu.memory_space<hbm>>
        tpu.wait_dma2 semaphore(%arg19 : memref<!tpu.dma_semaphore, #tpu.memory_space<semaphore_mem>>) src(%arg15 : memref<16384xf32, #tpu.memory_space<vmem>>) dst(%dma_wait3A_108 : memref<16384xf32, #tpu.memory_space<hbm>>)
      } else {
      }
      %parallel_loop3A_62 = arith.constant 0 : i32
      %parallel_loop3A_63 = arith.constant 1024 : i32
      %parallel_loop3A_64 = arith.constant 1 : i32
      scf.for %parallel_loop3A_101 = %parallel_loop3A_62 to %parallel_loop3A_63 step %parallel_loop3A_64  : i32 {
        %parallel_loop3A_102 = arith.constant 16 : i32
        %parallel_loop3A_103 = arith.muli %parallel_loop3A_101, %parallel_loop3A_102 : i32
        %parallel_loop3A_104 = arith.index_cast %parallel_loop3A_103 : i32 to index
        %parallel_loop3A_105 = tpu.vector_load %arg12[%parallel_loop3A_104] {strides = array<i32>} : memref<16384xf32, #tpu.memory_space<vmem>>, vector<16xf32>,
        %parallel_loop3A_106 = arith.index_cast %parallel_loop3A_103 : i32 to index
        %parallel_loop3A_107 = tpu.vector_load %arg15[%parallel_loop3A_106] {strides = array<i32>} : memref<16384xf32, #tpu.memory_space<vmem>>, vector<16xf32>,
        tpu.vector_store %arg15[%parallel_loop3A_106], %parallel_loop3A_105 {strides = array<i32>} : memref<16384xf32, #tpu.memory_space<vmem>>, vector<16xf32>,
      } {sc.loop_unroll_factor = 8 : i64, sc.parallel_access}
      %parallel_loop3A_65 = arith.constant 0 : i32
      %parallel_loop3A_66 = arith.constant 776 : i32
      %parallel_loop3A_67 = arith.constant 1 : i32
      scf.for %parallel_loop3A_101 = %parallel_loop3A_65 to %parallel_loop3A_66 step %parallel_loop3A_67  : i32 {
        %parallel_loop3A_102 = arith.constant 16 : i32
        %parallel_loop3A_103 = arith.muli %parallel_loop3A_101, %parallel_loop3A_102 : i32
        %parallel_loop3A_104 = arith.index_cast %parallel_loop3A_103 : i32 to index
        %parallel_loop3A_105 = tpu.vector_load %arg9[%parallel_loop3A_104] {strides = array<i32>} : memref<12416xi32, #tpu.memory_space<vmem>>, vector<16xi32>,
        %parallel_loop3A_106 = arith.constant 16383 : i32
        %parallel_loop3A_107 = vector.broadcast %parallel_loop3A_106 : i32 to vector<16xi32>
        %parallel_loop3A_108 = arith.andi %parallel_loop3A_105, %parallel_loop3A_107 : vector<16xi32>
        %parallel_loop3A_109 = arith.constant 14 : i32
        %parallel_loop3A_110 = vector.broadcast %parallel_loop3A_109 : i32 to vector<16xi32>
        %parallel_loop3A_111 = arith.shrui %parallel_loop3A_105, %parallel_loop3A_110 : vector<16xi32>
        %parallel_loop3A_112 = tpu.vector_load_idx %arg13[%parallel_loop3A_108] : memref<16384xf32, #tpu.memory_space<vmem>>[vector<16xi32>], vector<16xf32>,
        %parallel_loop3A_113 = arith.index_cast %parallel_loop3A_103 : i32 to index
        %parallel_loop3A_114 = tpu.vector_load %arg11[%parallel_loop3A_113] {strides = array<i32>} : memref<12416xf32, #tpu.memory_space<vmem>>, vector<16xf32>,
        %parallel_loop3A_115 = arith.mulf %parallel_loop3A_114, %parallel_loop3A_112 : vector<16xf32>
        tpu.vector_store_idx %arg15[%parallel_loop3A_111], %parallel_loop3A_115 {add = true} : memref<16384xf32, #tpu.memory_space<vmem>>[vector<16xi32>], vector<16xf32>,
      } {sc.loop_unroll_factor = 8 : i64, sc.parallel_access}
      %dma_start3A_68 = arith.constant 0 : i32
      %dma_start3A_69 = tpu.memref_slice %arg8[%add3A_45, %dma_start3A_68] : memref<4096x16384xf32, #tpu.memory_space<hbm>> -> memref<1x16384xf32, #tpu.memory_space<hbm>>
      %dma_start3A_70 = tpu.memref_squeeze %dma_start3A_69 : memref<1x16384xf32, #tpu.memory_space<hbm>> -> memref<16384xf32, #tpu.memory_space<hbm>>
      %dma_start3A_71 = arith.constant 0 : i32
      %dma_start3A_72 = tpu.memref_slice %arg8[%add3A_45, %dma_start3A_71] : memref<4096x16384xf32, #tpu.memory_space<hbm>> -> memref<1x16384xf32, #tpu.memory_space<hbm>>
      %dma_start3A_73 = tpu.memref_squeeze %dma_start3A_72 : memref<1x16384xf32, #tpu.memory_space<hbm>> -> memref<16384xf32, #tpu.memory_space<hbm>>
      tpu.enqueue_dma source(%arg15 : memref<16384xf32, #tpu.memory_space<vmem>>) target(%dma_start3A_73 : memref<16384xf32, #tpu.memory_space<hbm>>) target_semaphore(%arg19 : memref<!tpu.dma_semaphore, #tpu.memory_space<semaphore_mem>>)
      %dma_wait3A_74 = arith.constant 0 : i32
      %dma_wait3A_75 = tpu.memref_slice %arg2[%add3A_47, %dma_wait3A_74] : memref<4096x16384xf32, #tpu.memory_space<hbm>> -> memref<1x16384xf32, #tpu.memory_space<hbm>>
      %dma_wait3A_76 = tpu.memref_squeeze %dma_wait3A_75 : memref<1x16384xf32, #tpu.memory_space<hbm>> -> memref<16384xf32, #tpu.memory_space<hbm>>
      %dma_wait3A_77 = arith.constant 0 : i32
      %dma_wait3A_78 = tpu.memref_slice %arg2[%add3A_47, %dma_wait3A_77] : memref<4096x16384xf32, #tpu.memory_space<hbm>> -> memref<1x16384xf32, #tpu.memory_space<hbm>>
      %dma_wait3A_79 = tpu.memref_squeeze %dma_wait3A_78 : memref<1x16384xf32, #tpu.memory_space<hbm>> -> memref<16384xf32, #tpu.memory_space<hbm>>
      tpu.wait_dma2 semaphore(%arg18 : memref<!tpu.dma_semaphore, #tpu.memory_space<semaphore_mem>>) src(%dma_wait3A_79 : memref<16384xf32, #tpu.memory_space<hbm>>) dst(%arg14 : memref<16384xf32, #tpu.memory_space<vmem>>)
      %lt3A = arith.constant 63 : i32
      %lt3A_80 = arith.cmpi slt, %scan3A_42, %lt3A : i32
      %convert_element_type3A_81 = arith.extui %lt3A_80 : i1 to i32
      %cond3A_82 = arith.constant 0 : i32
      %cond3A_83 = arith.cmpi ne, %convert_element_type3A_81, %cond3A_82 : i32
      scf.if %cond3A_83 {
        %add3A_101 = arith.constant 2 : i32
        %add3A_102 = arith.addi %add3A_45, %add3A_101 : i32
        %dma_start3A_103 = arith.constant 0 : i32
        %dma_start3A_104 = tpu.memref_slice %arg2[%add3A_102, %dma_start3A_103] : memref<4096x16384xf32, #tpu.memory_space<hbm>> -> memref<1x16384xf32, #tpu.memory_space<hbm>>
        %dma_start3A_105 = tpu.memref_squeeze %dma_start3A_104 : memref<1x16384xf32, #tpu.memory_space<hbm>> -> memref<16384xf32, #tpu.memory_space<hbm>>
        %dma_start3A_106 = arith.constant 0 : i32
        %dma_start3A_107 = tpu.memref_slice %arg2[%add3A_102, %dma_start3A_106] : memref<4096x16384xf32, #tpu.memory_space<hbm>> -> memref<1x16384xf32, #tpu.memory_space<hbm>>
        %dma_start3A_108 = tpu.memref_squeeze %dma_start3A_107 : memref<1x16384xf32, #tpu.memory_space<hbm>> -> memref<16384xf32, #tpu.memory_space<hbm>>
        tpu.enqueue_dma source(%dma_start3A_108 : memref<16384xf32, #tpu.memory_space<hbm>>) target(%arg13 : memref<16384xf32, #tpu.memory_space<vmem>>) target_semaphore(%arg17 : memref<!tpu.dma_semaphore, #tpu.memory_space<semaphore_mem>>)
      } else {
      }
      %gt3A_84 = arith.constant 0 : i32
      %gt3A_85 = arith.cmpi sgt, %scan3A_42, %gt3A_84 : i32
      %convert_element_type3A_86 = arith.extui %gt3A_85 : i1 to i32
      %cond3A_87 = arith.constant 0 : i32
      %cond3A_88 = arith.cmpi ne, %convert_element_type3A_86, %cond3A_87 : i32
      scf.if %cond3A_88 {
        %sub3A_101 = arith.constant 2 : i32
        %sub3A_102 = arith.subi %add3A_47, %sub3A_101 : i32
        %dma_wait3A_103 = arith.constant 0 : i32
        %dma_wait3A_104 = tpu.memref_slice %arg8[%sub3A_102, %dma_wait3A_103] : memref<4096x16384xf32, #tpu.memory_space<hbm>> -> memref<1x16384xf32, #tpu.memory_space<hbm>>
        %dma_wait3A_105 = tpu.memref_squeeze %dma_wait3A_104 : memref<1x16384xf32, #tpu.memory_space<hbm>> -> memref<16384xf32, #tpu.memory_space<hbm>>
        %dma_wait3A_106 = arith.constant 0 : i32
        %dma_wait3A_107 = tpu.memref_slice %arg8[%sub3A_102, %dma_wait3A_106] : memref<4096x16384xf32, #tpu.memory_space<hbm>> -> memref<1x16384xf32, #tpu.memory_space<hbm>>
        %dma_wait3A_108 = tpu.memref_squeeze %dma_wait3A_107 : memref<1x16384xf32, #tpu.memory_space<hbm>> -> memref<16384xf32, #tpu.memory_space<hbm>>
        tpu.wait_dma2 semaphore(%arg20 : memref<!tpu.dma_semaphore, #tpu.memory_space<semaphore_mem>>) src(%arg16 : memref<16384xf32, #tpu.memory_space<vmem>>) dst(%dma_wait3A_108 : memref<16384xf32, #tpu.memory_space<hbm>>)
      } else {
      }
      %parallel_loop3A_89 = arith.constant 0 : i32
      %parallel_loop3A_90 = arith.constant 1024 : i32
      %parallel_loop3A_91 = arith.constant 1 : i32
      scf.for %parallel_loop3A_101 = %parallel_loop3A_89 to %parallel_loop3A_90 step %parallel_loop3A_91  : i32 {
        %parallel_loop3A_102 = arith.constant 16 : i32
        %parallel_loop3A_103 = arith.muli %parallel_loop3A_101, %parallel_loop3A_102 : i32
        %parallel_loop3A_104 = arith.index_cast %parallel_loop3A_103 : i32 to index
        %parallel_loop3A_105 = tpu.vector_load %arg12[%parallel_loop3A_104] {strides = array<i32>} : memref<16384xf32, #tpu.memory_space<vmem>>, vector<16xf32>,
        %parallel_loop3A_106 = arith.index_cast %parallel_loop3A_103 : i32 to index
        %parallel_loop3A_107 = tpu.vector_load %arg16[%parallel_loop3A_106] {strides = array<i32>} : memref<16384xf32, #tpu.memory_space<vmem>>, vector<16xf32>,
        tpu.vector_store %arg16[%parallel_loop3A_106], %parallel_loop3A_105 {strides = array<i32>} : memref<16384xf32, #tpu.memory_space<vmem>>, vector<16xf32>,
      } {sc.loop_unroll_factor = 8 : i64, sc.parallel_access}
      %parallel_loop3A_92 = arith.constant 0 : i32
      %parallel_loop3A_93 = arith.constant 776 : i32
      %parallel_loop3A_94 = arith.constant 1 : i32
      scf.for %parallel_loop3A_101 = %parallel_loop3A_92 to %parallel_loop3A_93 step %parallel_loop3A_94  : i32 {
        %parallel_loop3A_102 = arith.constant 16 : i32
        %parallel_loop3A_103 = arith.muli %parallel_loop3A_101, %parallel_loop3A_102 : i32
        %parallel_loop3A_104 = arith.index_cast %parallel_loop3A_103 : i32 to index
        %parallel_loop3A_105 = tpu.vector_load %arg9[%parallel_loop3A_104] {strides = array<i32>} : memref<12416xi32, #tpu.memory_space<vmem>>, vector<16xi32>,
        %parallel_loop3A_106 = arith.constant 16383 : i32
        %parallel_loop3A_107 = vector.broadcast %parallel_loop3A_106 : i32 to vector<16xi32>
        %parallel_loop3A_108 = arith.andi %parallel_loop3A_105, %parallel_loop3A_107 : vector<16xi32>
        %parallel_loop3A_109 = arith.constant 14 : i32
        %parallel_loop3A_110 = vector.broadcast %parallel_loop3A_109 : i32 to vector<16xi32>
        %parallel_loop3A_111 = arith.shrui %parallel_loop3A_105, %parallel_loop3A_110 : vector<16xi32>
        %parallel_loop3A_112 = tpu.vector_load_idx %arg14[%parallel_loop3A_108] : memref<16384xf32, #tpu.memory_space<vmem>>[vector<16xi32>], vector<16xf32>,
        %parallel_loop3A_113 = arith.index_cast %parallel_loop3A_103 : i32 to index
        %parallel_loop3A_114 = tpu.vector_load %arg11[%parallel_loop3A_113] {strides = array<i32>} : memref<12416xf32, #tpu.memory_space<vmem>>, vector<16xf32>,
        %parallel_loop3A_115 = arith.mulf %parallel_loop3A_114, %parallel_loop3A_112 : vector<16xf32>
        tpu.vector_store_idx %arg16[%parallel_loop3A_111], %parallel_loop3A_115 {add = true} : memref<16384xf32, #tpu.memory_space<vmem>>[vector<16xi32>], vector<16xf32>,
      } {sc.loop_unroll_factor = 8 : i64, sc.parallel_access}
      %dma_start3A_95 = arith.constant 0 : i32
      %dma_start3A_96 = tpu.memref_slice %arg8[%add3A_47, %dma_start3A_95] : memref<4096x16384xf32, #tpu.memory_space<hbm>> -> memref<1x16384xf32, #tpu.memory_space<hbm>>
      %dma_start3A_97 = tpu.memref_squeeze %dma_start3A_96 : memref<1x16384xf32, #tpu.memory_space<hbm>> -> memref<16384xf32, #tpu.memory_space<hbm>>
      %dma_start3A_98 = arith.constant 0 : i32
      %dma_start3A_99 = tpu.memref_slice %arg8[%add3A_47, %dma_start3A_98] : memref<4096x16384xf32, #tpu.memory_space<hbm>> -> memref<1x16384xf32, #tpu.memory_space<hbm>>
      %dma_start3A_100 = tpu.memref_squeeze %dma_start3A_99 : memref<1x16384xf32, #tpu.memory_space<hbm>> -> memref<16384xf32, #tpu.memory_space<hbm>>
      tpu.enqueue_dma source(%arg16 : memref<16384xf32, #tpu.memory_space<vmem>>) target(%dma_start3A_100 : memref<16384xf32, #tpu.memory_space<hbm>>) target_semaphore(%arg20 : memref<!tpu.dma_semaphore, #tpu.memory_space<semaphore_mem>>)
    }
    %scan3A_24 = arith.constant 64 : i32
    %add3A_25 = arith.constant 128 : i32
    %add3A_26 = arith.addi %mul3A_2, %add3A_25 : i32
    %sub3A = arith.constant 2 : i32
    %sub3A_27 = arith.subi %add3A_26, %sub3A : i32
    %dma_wait3A_28 = arith.constant 0 : i32
    %dma_wait3A_29 = tpu.memref_slice %arg8[%sub3A_27, %dma_wait3A_28] : memref<4096x16384xf32, #tpu.memory_space<hbm>> -> memref<1x16384xf32, #tpu.memory_space<hbm>>
    %dma_wait3A_30 = tpu.memref_squeeze %dma_wait3A_29 : memref<1x16384xf32, #tpu.memory_space<hbm>> -> memref<16384xf32, #tpu.memory_space<hbm>>
    %dma_wait3A_31 = arith.constant 0 : i32
    %dma_wait3A_32 = tpu.memref_slice %arg8[%sub3A_27, %dma_wait3A_31] : memref<4096x16384xf32, #tpu.memory_space<hbm>> -> memref<1x16384xf32, #tpu.memory_space<hbm>>
    %dma_wait3A_33 = tpu.memref_squeeze %dma_wait3A_32 : memref<1x16384xf32, #tpu.memory_space<hbm>> -> memref<16384xf32, #tpu.memory_space<hbm>>
    tpu.wait_dma2 semaphore(%arg19 : memref<!tpu.dma_semaphore, #tpu.memory_space<semaphore_mem>>) src(%arg15 : memref<16384xf32, #tpu.memory_space<vmem>>) dst(%dma_wait3A_33 : memref<16384xf32, #tpu.memory_space<hbm>>)
    %sub3A_34 = arith.constant 1 : i32
    %sub3A_35 = arith.subi %add3A_26, %sub3A_34 : i32
    %dma_wait3A_36 = arith.constant 0 : i32
    %dma_wait3A_37 = tpu.memref_slice %arg8[%sub3A_35, %dma_wait3A_36] : memref<4096x16384xf32, #tpu.memory_space<hbm>> -> memref<1x16384xf32, #tpu.memory_space<hbm>>
    %dma_wait3A_38 = tpu.memref_squeeze %dma_wait3A_37 : memref<1x16384xf32, #tpu.memory_space<hbm>> -> memref<16384xf32, #tpu.memory_space<hbm>>
    %dma_wait3A_39 = arith.constant 0 : i32
    %dma_wait3A_40 = tpu.memref_slice %arg8[%sub3A_35, %dma_wait3A_39] : memref<4096x16384xf32, #tpu.memory_space<hbm>> -> memref<1x16384xf32, #tpu.memory_space<hbm>>
    %dma_wait3A_41 = tpu.memref_squeeze %dma_wait3A_40 : memref<1x16384xf32, #tpu.memory_space<hbm>> -> memref<16384xf32, #tpu.memory_space<hbm>>
    tpu.wait_dma2 semaphore(%arg20 : memref<!tpu.dma_semaphore, #tpu.memory_space<semaphore_mem>>) src(%arg16 : memref<16384xf32, #tpu.memory_space<vmem>>) dst(%dma_wait3A_41 : memref<16384xf32, #tpu.memory_space<hbm>>)
    return
  }
}

</mosaic_0001>

<sc_bundles>
// kernel: kernel.3.cloned.1.call-start
scs
__scs_entry_jumppad:
0x0: {  	(pc) =	sbr.rel $0x88, $3  }
0x1: {  	(tag) =	ssettag $0x0;
	lr =	simm.s32 $0x1  }
0x2: {  	[smem:$0x3F9B] =	sst lr;
	_ =	strace $0xD0000000  }
0x3: {  	_ = 	snop  }
0x4: {  	_ = 	snop  }
0x5: {  	_ = 	snop  }
0x6: {  	_ = 	snop  }
0x7: {  	_ = 	snop  }
__scs_overlays_trampoline_lowered:
0x8: {  	[smem:$0x3FAA] =	sst s0  }
0x9: {  	[smem:$0x3FAB] =	sst s1  }
0xa: {  	[smem:$0x3FAC] =	sst s2  }
0xb: {  	[smem:$0x3FAD] =	sst s3  }
0xc: {  	[smem:$0x3FAE] =	sst s4  }
0xd: {  	[smem:$0x3FAF] =	sst s5  }
0xe: {  	[smem:$0x3FB0] =	sst s6  }
0xf: {  	[smem:$0x3FB1] =	sst s7  }
0x10: {  	[smem:$0x3FB2] =	sst s8  }
0x11: {  	[smem:$0x3FB3] =	sst s9;
	s0 =	simm.s32 @!p0 $0x0  }
0x12: {  	s1 =	sld [smem:$0x3F99];
	s0 =	simm.s32 @p0 $0x1  }
0x13: {  	[smem:$0x3FB4] =	sst s0;
	s0 =	simm.s32 @!p1 $0x0  }
0x14: {  	s2 =	sld [smem:$0x3F98];
	s0 =	simm.s32 @p1 $0x1  }
0x15: {  	[smem:$0x3FB5] =	sst s0;
	s0 =	simm.s32 @!p2 $0x0  }
0x16: {  	s3 =	sld [smem:$0x3FDB];
	s0 =	simm.s32 @p2 $0x1  }
0x17: {  	s4 =	simm.s32 $0x1BF5;
	[smem:$0x3FB7] =	sst s0  }
0x18: {  	s0 =	sld [smem:$0x3F9A];
	_ =	swait.ge [sflag:s4], $0x0  }
0x19: {  	s7 =	sld [smem:$0x3F9B]  }
0x1a: {  	s8 =	sadd.s32 $0xFFFFE003, lr  }
0x1b: {  	s9 =	sadd.s32 $0xFFFFFEF7, lr;
	s5 =	simm.s32 $0xFFFFFFFF;
	p2 =	slt.u32 s8, $0xFFFFF086  }
0x1c: {  	p1 =	slt.u32 s9, $0xF7A;
	s5 =	simm.s32 @!p2 $0x0  }
0x1d: {  	s5 =	simm.s32 @p1 $0x1;
	p0 =	seq.s32 s7, s2  }
0x1e: {  	s7 =	smul.u32 @!p0 $0xF7A, s2;
	p2 =	seq.s32 @!p0 s5, $0x0  }
0x1f: {  	s9 =	smul.u32 $0xF7A, s1;
	s8 =	simm.s32 @!p0 $0x1BF5;
	p2 =	por !p2, p0  }
0x20: {  	[sflag:s8] =	ssyncset.s32 @!p0 $0xFFFFF086;
	s6 =	sadd.s32 @!p0 s3, s7;
	s7 =	simm.s32 @!p0 $0x108  }
0x21: {  	s3 =	sadd.s32 s3, s9;
	s6 =	sadd.s32 @!p0 $0x88, s6;
	s7 =	simm.s32 @p2 $0x1082  }
0x22: {  	[simem:s7], [sflag:s8] =	dma.local @!p0 [hbm:s6], $0xF7A  }
0x23: {  	s9 =	sor.u32 $0xD0000000, s2;
	s6 =	simm.s32 $0x108;
	_ =	swait.ge @!p0 [sflag:s8], $0x0  }
0x24: {  	s3 =	sadd.s32 $0x88, s3;
	s6 =	simm.s32 @!p1 $0x1082;
	[sflag:s4] =	ssyncset.s32 $0xFFFFF086  }
0x25: {  	[simem:s6], [sflag:s4] =	dma.local [hbm:s3], $0xF7A  }
0x26: {  	[smem:$0x3F9B] =	sst s1;
	(tag) =	ssettag s2;
	_ =	strace s9  }
0x27: {  	s1 =	sld [smem:$0x3FAB]  }
0x28: {  	s2 =	sld [smem:$0x3FAC]  }
0x29: {  	s4 =	sld [smem:$0x3FAE]  }
0x2a: {  	p0 =	seq.s32 s5, $0x0;
	s5 =	sld [smem:$0x3FAF]  }
0x2b: {  	s6 =	sld [smem:$0x3FB0]  }
0x2c: {  	s7 =	sld [smem:$0x3FB1]  }
0x2d: {  	s3 =	simm.s32 $0x108;
	s8 =	sld [smem:$0x3FB2]  }
0x2e: {  	s3 =	simm.s32 @!p0 $0x1082;
	s9 =	sld [smem:$0x3FB3]  }
0x2f: {  	lr =	sadd.s32 s0, s3;
	s0 =	sld [smem:$0x3FAA]  }
0x30: {  	s3 =	sld [smem:$0x3FAD]  }
0x31: {  	[smem:$0x3FB6] =	sst s10  }
0x32: {  	s10 =	sld [smem:$0x3FB4];
	_ =	sdelay $0x3  }
0x33: {  	p0 =	seq.s32 s10, $0x1;
	s10 =	sld [smem:$0x3FB6];
	_ =	sdelay $0x3  }
0x34: {  	[smem:$0x3FB6] =	sst s10  }
0x35: {  	s10 =	sld [smem:$0x3FB5];
	_ =	sdelay $0x3  }
0x36: {  	p1 =	seq.s32 s10, $0x1;
	s10 =	sld [smem:$0x3FB6];
	_ =	sdelay $0x3  }
0x37: {  	[smem:$0x3FB6] =	sst s10  }
0x38: {  	s10 =	sld [smem:$0x3FB7]  }
0x39: {  	_ = 	snop;
	(pc) =	sbr.ind lr, $3  }
0x3a: {  	_ = 	snop  }
0x3b: {  	_ = 	snop  }
0x3c: {  	p2 =	seq.s32 s10, $0x1;
	s10 =	sld [smem:$0x3FB6]  }
0x3d: {  	_ =	shalt  }
0x3e: {  	_ =	shalt  }
0x3f: {  	_ =	shalt  }
0x40: {  	_ =	shalt  }
0x41: {  	_ =	shalt  }
0x42: {  	_ =	shalt  }
0x43: {  	_ =	shalt  }
0x44: {  	_ =	shalt  }
0x45: {  	_ =	shalt  }
0x46: {  	_ =	shalt  }
0x47: {  	_ =	shalt  }
0x48: {  	_ =	shalt  }
0x49: {  	_ =	shalt  }
0x4a: {  	_ =	shalt  }
0x4b: {  	_ =	shalt  }
0x4c: {  	_ =	shalt  }
0x4d: {  	_ =	shalt  }
0x4e: {  	_ =	shalt  }
0x4f: {  	_ =	shalt  }
0x50: {  	_ =	shalt  }
0x51: {  	_ =	shalt  }
0x52: {  	_ =	shalt  }
0x53: {  	_ =	shalt  }
0x54: {  	_ =	shalt  }
0x55: {  	_ =	shalt  }
0x56: {  	_ =	shalt  }
0x57: {  	_ =	shalt  }
0x58: {  	_ =	shalt  }
0x59: {  	_ =	shalt  }
0x5a: {  	_ =	shalt  }
0x5b: {  	_ =	shalt  }
0x5c: {  	_ =	shalt  }
0x5d: {  	_ =	shalt  }
0x5e: {  	_ =	shalt  }
0x5f: {  	_ =	shalt  }
0x60: {  	_ =	shalt  }
0x61: {  	_ =	shalt  }
0x62: {  	_ =	shalt  }
0x63: {  	_ =	shalt  }
0x64: {  	_ =	shalt  }
0x65: {  	_ =	shalt  }
0x66: {  	_ =	shalt  }
0x67: {  	_ =	shalt  }
0x68: {  	_ =	shalt  }
0x69: {  	_ =	shalt  }
0x6a: {  	_ =	shalt  }
0x6b: {  	_ =	shalt  }
0x6c: {  	_ =	shalt  }
0x6d: {  	_ =	shalt  }
0x6e: {  	_ =	shalt  }
0x6f: {  	_ =	shalt  }
0x70: {  	_ =	shalt  }
0x71: {  	_ =	shalt  }
0x72: {  	_ =	shalt  }
0x73: {  	_ =	shalt  }
0x74: {  	_ =	shalt  }
0x75: {  	_ =	shalt  }
0x76: {  	_ =	shalt  }
0x77: {  	_ =	shalt  }
0x78: {  	_ =	shalt  }
0x79: {  	_ =	shalt  }
0x7a: {  	_ =	shalt  }
0x7b: {  	_ =	shalt  }
0x7c: {  	_ =	shalt  }
0x7d: {  	_ =	shalt  }
0x7e: {  	_ =	shalt  }
0x7f: {  	_ =	shalt  }
0x80: {  	_ =	shalt  }
0x81: {  	_ =	shalt  }
0x82: {  	_ =	shalt  }
0x83: {  	_ =	shalt  }
0x84: {  	_ =	shalt  }
0x85: {  	_ =	shalt  }
0x86: {  	_ =	shalt  }
0x87: {  	_ =	shalt  }
.Lfunc_end0:
.L_simem_size_0:
called_computation_lowered:
.L_overlay_start_0:
0x88: {  	s2 =	sld [smem:$0x3FD9]  }
0x89: {  	s3 =	sld [smem:$0x3FFE];
	_ =	sdelay $0x1  }
0x8a: {  	s1 =	srdreg.scid  }
0x8b: {  	s0 =	sand.u32 $0x1, s1  }
0x8c: {  	s17 =	sshll.u32 s0, $0xA;
	s2 =	sadd.s32 s3, s2  }
0x8d: {  	s2 =	sadd.s32 s2, s17  }
0x8e: {  	[smem:$0x3FC2] =	sst s2  }
0x8f: {  	_ = 	snop  }
0x90: {  	s2 =	sld [smem:$0x3FC9]  }
0x91: {  	s18 =	sld [smem:$0x3FC7]  }
0x92: {  	s4 =	sld [smem:$0x3FC6]  }
0x93: {  	s5 =	sld [smem:$0x3FD0];
	(tm) =	ssettm $0x1  }
0x94: {  	s6 =	sld [smem:$0x3FFB];
	_ =	sdelay $0x3  }
0x95: {  	_ =	strace s6  }
0x96: {  	s6 =	sld [smem:$0x3FFC];
	_ =	sdelay $0x3  }
0x97: {  	_ =	strace s6  }
0x98: {  	s6 =	sld [smem:$0x3FFD];
	_ =	sdelay $0x3  }
0x99: {  	_ =	strace s6  }
0x9a: {  	_ =	strace $0x8FFFFFFF  }
0x9b: {  	s19 =	sld [smem:$0x3FDB];
	_ =	sdelay $0x1  }
0x9c: {  	s7 =	simm.s32 $_scs_section_size  }
0x9d: {  	s8 =	simm.s32 $_size__tile_overlayer_lowered;
	s9 =	simm.s32 $_tile_overlayer_lowered  }
0x9e: {  	s22 =	simm.s32 $0x1BFF;
	s21 =	sshll.u32 s9, $0x1;
	s6 =	sadd.s32 s7, s19  }
0x9f: {  	s10 =	simm.s32 $0x0;
	s20 =	sshll.u32 s8, $0x1;
	s8 =	sadd.s32 s21, s6  }
0xa0: {  	[timem:s10], [sflag:s22] =	dma.local [hbm:s8], s20  }
0xa1: {  	_ =	swait.ge [sflag:s22], s20  }
0xa2: {  	s7 =	ssub.s32 $0x0, s20;
	[sflag:s22] =	ssyncset.done $0x0  }
0xa3: {  	[sflag:s22] =	ssyncadd.s32 s7;
	_ =	sdelay $0x1  }
0xa4: {  	s23 =	simm.s32 $0x1B8B  }
0xa5: {  	_ =	swait.ge [sflag:s23], $0x1  }
0xa6: {  	[sflag:s23] =	ssyncset.done $0x0  }
0xa7: {  	s25 =	simm.s32 $0x1B8E;
	s24 =	sld [smem:$0x3FFE];
	[sflag:s23] =	ssyncadd.s32 $0xFFFFFFFF  }
0xa8: {  	s26 =	simm.s32 $execute0_lowered;
	[smem:$0x3FD2] =	sst s25  }
0xa9: {  	s8 =	sshll.u32 s26, $0x1;
	_ =	strace $0x80000046;
	[dreg:$0x1] =	wrdreg $0xFFFFFFFF  }
0xaa: {  	s28 =	simm.s32 $_size_execute0_lowered;
	s6 =	sadd.s32 s6, s8;
	[dreg:$0x0] =	wrdreg $0x0  }
0xab: {  	s8 =	sshll.u32 s28, $0x1;
	[dreg:$0x2] =	wrdreg s6  }
0xac: {  	[dreg:$0x3] =	wrdreg s8  }
0xad: {  	[dreg:$0x4] =	wrdreg $0xC0  }
0xae: {  	_ =	task [dreg:s10], $0x5FFFF  }
0xaf: {  	[dreg:$0x1] =	wrdreg $0xFFFFFFFF  }
0xb0: {  	[dreg:$0x0] =	wrdreg $0x60  }
0xb1: {  	[dreg:$0x2] =	wrdreg s2  }
0xb2: {  	[dreg:$0x3] =	wrdreg s24  }
0xb3: {  	[dreg:$0x4] =	wrdreg s18  }
0xb4: {  	[dreg:$0x5] =	wrdreg s4  }
0xb5: {  	[dreg:$0x6] =	wrdreg s5  }
0xb6: {  	[dreg:$0x7] =	wrdreg $0x9  }
0xb7: {  	_ =	task.clear_ibuf [dreg:s10], $0x8FFFF;
	_ =	strace $0x90000046  }
0xb8: {  	s29 =	simm.s32 $0x9;
	_ =	strace $0x80000048  }
0xb9: {  	_ =	swait.ge [sflag:s29], $0x1  }
0xba: {  	[sflag:s29] =	ssyncadd.s32 $0xFFFFFFFF  }
0xbb: {  	_ =	strace $0x90000048  }
0xbc: {  	_ =	sfence  }
0xbd: {  	s30 =	sld [smem:$0x0];
	_ =	sdelay $0x2  }
0xbe: {  	s31 =	sshll.u32 s1, $0xD;
	s1 =	sshrl.u32 s1, $0x2  }
0xbf: {  	s3 =	sand.u32 $0x4000, s31;
	s1 =	sadd.s32 s1, s30  }
0xc0: {  	s0 =	sor.u32 s3, s0;
	s1 =	sshll.u32 s1, $0x11  }
0xc1: {  	s0 =	sor.u32 s1, s0  }
0xc2: {  	s0 =	sadd.s32 $0x8F2B, s0  }
0xc3: {  	[sflag:s0] =	ssyncadd.remote.s32 $0x1  }
0xc4: {  	_ =	sfence.sel $0xFFFF  }
0xc5: {  	[dreg:$0x0] =	wrdreg $0xFFFFFFFF;
	(pc) =	sbr.abs _section_cstart, $3  }
0xc6: {  	[dreg:$0x1] =	wrdreg $0xFFFFFFFF  }
0xc7: {  	_ =	task.clear_ibuf [dreg:s10], $0x2FFFF;
	_ =	strace $0x9FFFFFFF  }
0xc8: {  	(tm) =	ssettm $0x7FFFFFFF  }
0xc9: {  	_ =	shalt  }
tec
execute0_lowered:
.L_overlay_start_1:
0x0: {  	(tag) =	ssettag $0x1  }
0x1: {  	s1 =	rddreg [dreg:$0x0]  }
0x2: {  	s2 =	rddreg [dreg:$0x1]  }
0x3: {  	s5 =	rddreg [dreg:$0x4];
	s7 =	simm.s32 $0x0;
	s0 =	srdreg.scid  }
0x4: {  	s4 =	stileid.u32;
	s14 =	simm.s32 $0x15180;
	s15 =	simm.s32 $0xD180  }
0x5: {  	s16 =	simm.s32 $0x9180;
	s17 =	simm.s32 $0x1;
	s18 =	simm.s32 $0x80  }
0x6: {  	s19 =	simm.s32 $0x400;
	s20 =	simm.s32 $0x11180;
	s21 =	simm.s32 $0x2  }
0x7: {  	s22 =	simm.s32 $0x19180;
	s23 =	simm.s32 $0x3;
	s24 =	simm.s32 $0x4  }
0x8: {  	s25 =	simm.s32 $0x0;
	[smem:$0x7FF] =	sst s7;
	s0 =	sand.u32 $0x1, s0  }
0x9: {  	s4 =	sshll.u32 s4, $0x8;
	s3 =	ssub.s32 $0x2, s0;
	s0 =	sshll.u32 s0, $0x7  }
0xa: {  	s8 =	sadd.s32 $0x800, s2;
	s6 =	sshrl.u32 s3, $0x1;
	s9 =	sor.u32 s0, s4  }
0xb: {  	s10 =	sadd.s32 $0x1000, s2;
	s30 =	ssub.s32 s3, s6;
	s31 =	sshll.u32 s9, $0xB  }
0xc: {  	_ =	strace $0x80000047;
	s11 =	sadd.s32 s1, s31;
	s12 =	smax.u32 s30, $0x1  }
.LBB2_1:
0xd: {  	[tilespmem:s7], [sflag:$0x1] =	stream.linear.gather [hbm4b:s8+s7], $0x3080, $0x38;
	[tilespmem:$0x1D180] =	vst v63  }
0xe: {  	s0 =	simm.s32 $0x3080  }
0xf: {  	[tilespmem:s0], [sflag:$0x1] =	stream.linear.gather [hbm4b:s10+s7], $0x3080, $0x38;
	[tilespmem:$0x1D180] =	vst v63  }
0x10: {  	_ = 	snop  }
0x11: {  	[tilespmem:s14], [sflag:$0x1] =	stream.linear.gather [hbm4b:s2+s7], $0x3080, $0x38;
	[tilespmem:$0x1D180] =	vst v63  }
0x12: {  	s6 =	rddreg [dreg:$0x3]  }
0x13: {  	[tilespmem:s15], [sflag:$0x1] =	stream.linear.gather [hbm4b:s6+s7], $0x4000, $0x38;
	[tilespmem:$0x1D180] =	vst v63  }
0x14: {  	s13 =	rddreg [dreg:$0x2]  }
0x15: {  	[tilespmem:s16], [sflag:$0x1] =	stream.linear.gather [hbm4b:s13+s7], $0x4000, $0x38;
	[tilespmem:$0x1D180] =	vst v63  }
0x16: {  	_ =	swait.ge [sflag:s17], $0x3080  }
0x17: {  	[sflag:s17] =	ssyncset.done $0x0  }
0x18: {  	[sflag:s17] =	ssyncadd.s32 $0xFFFFCF80  }
0x19: {  	_ =	swait.ge [sflag:s17], $0x3080  }
0x1a: {  	[sflag:s17] =	ssyncset.done $0x0  }
0x1b: {  	[sflag:s17] =	ssyncadd.s32 $0xFFFFCF80  }
0x1c: {  	_ =	swait.ge [sflag:s17], $0x3080  }
0x1d: {  	[sflag:s17] =	ssyncset.done $0x0  }
0x1e: {  	[sflag:s17] =	ssyncadd.s32 $0xFFFFCF80  }
0x1f: {  	_ =	swait.ge [sflag:s17], $0x4000  }
0x20: {  	[sflag:s17] =	ssyncset.done $0x0  }
0x21: {  	[sflag:s17] =	ssyncadd.s32 $0xFFFFC000  }
0x22: {  	_ =	swait.ge [sflag:s17], $0x4000  }
0x23: {  	[sflag:s17] =	ssyncset.done $0x0  }
0x24: {  	s26 =	simm.s32 $0x30C0;
	[sflag:s17] =	ssyncadd.s32 $0xFFFFC000  }
0x25: {  	v4 =	vld [tilespmem:s26+$0x20]  }
0x26: {  	v0 =	vld [tilespmem:s26+$0xFFFFFFD0]  }
0x27: {  	v1 =	vld [tilespmem:s26+$0xFFFFFFE0]  }
0x28: {  	v5 =	vld [tilespmem:s26+$0xFFFFFFF0]  }
0x29: {  	v7 =	vld [tilespmem:s26+$0x10]  }
0x2a: {  	v6 =	vld [tilespmem:s26+$0x30]  }
0x2b: {  	v8 =	vld [tilespmem:s26+$0x0]  }
0x2c: {  	v9 =	vld [tilespmem:s26+$0xFFFFFFC0]  }
0x2d: {  	v10 =	vld.idx.msk [tilespmem:v4+s7+$0x0], $0xffff  }
0x2e: {  	v11 =	vld.idx.msk [tilespmem:v0+s7+$0x0], $0xffff  }
0x2f: {  	v0 =	vld.idx.msk [tilespmem:v0+s14+$0x0], $0xffff  }
0x30: {  	v13 =	vld.idx.msk [tilespmem:v1+s14+$0x0], $0xffff  }
0x31: {  	v12 =	vld.idx.msk [tilespmem:v1+s7+$0x0], $0xffff  }
0x32: {  	v3 =	vld.idx.msk [tilespmem:v5+s7+$0x0], $0xffff  }
0x33: {  	v2 =	vld.idx.msk [tilespmem:v7+s7+$0x0], $0xffff  }
0x34: {  	v14 =	vld.idx.msk [tilespmem:v6+s7+$0x0], $0xffff  }
0x35: {  	v15 =	vld.idx.msk [tilespmem:v8+s7+$0x0], $0xffff  }
0x36: {  	v17 =	vld.idx.msk [tilespmem:v9+s7+$0x0], $0xffff  }
0x37: {  	v1 =	vld.idx.msk [tilespmem:v5+s14+$0x0], $0xffff;
	v16 =	vand.u32 $0x3FFF, v10  }
0x38: {  	v19 =	vld.idx.msk [tilespmem:v4+s14+$0x0], $0xffff  }
0x39: {  	v5 =	vld.idx.msk [tilespmem:v8+s14+$0x0], $0xffff;
	v18 =	vand.u32 $0x3FFF, v12  }
0x3a: {  	v4 =	vld.idx.msk [tilespmem:v9+s14+$0x0], $0xffff;
	v20 =	vand.u32 $0x3FFF, v11  }
0x3b: {  	v6 =	vld.idx.msk [tilespmem:v6+s14+$0x0], $0xffff;
	v9 =	vand.u32 $0x3FFF, v15  }
0x3c: {  	v21 =	vand.u32 $0x3FFF, v2;
	v16 =	vld.idx.msk [tilespmem:v16+s15+$0x0], $0xffff  }
0x3d: {  	s0 =	simm.s32 $0x191C0;
	v7 =	vld.idx.msk [tilespmem:v7+s14+$0x0], $0xffff;
	v22 =	vand.u32 $0x3FFF, v14  }
0x3e: {  	v63 =	vand.u32 $0x3FFF, v3;
	v18 =	vld.idx.msk [tilespmem:v18+s15+$0x0], $0xffff;
	[tilespmem:s0+$0x20] =	vst v10  }
0x3f: {  	v23 =	vand.u32 $0x3FFF, v17;
	v8 =	vld.idx.msk [tilespmem:v20+s15+$0x0], $0xffff;
	[tilespmem:s0+$0xFFFFFFE0] =	vst v12  }
0x40: {  	[tilespmem:s0+$0xFFFFFFD0] =	vst v11;
	v10 =	vld.idx.msk [tilespmem:v9+s15+$0x0], $0xffff  }
0x41: {  	[tilespmem:s0+$0x0] =	vst v15;
	v12 =	vld.idx.msk [tilespmem:v21+s15+$0x0], $0xffff;
	v9 =	vmul.f32 v16, v19  }
0x42: {  	s28 =	simm.s32 $0x6140;
	v11 =	vld.idx.msk [tilespmem:v22+s15+$0x0], $0xffff;
	[tilespmem:s0+$0x30] =	vst v14  }
0x43: {  	s30 =	simm.s32 $0x0;
	s31 =	simm.s32 $0x3140;
	s3 =	simm.s32 $0x191C0;
	v14 =	vmul.f32 v18, v13;
	v13 =	vld.idx.msk [tilespmem:v63+s15+$0x0], $0xffff;
	[tilespmem:s28+$0x20] =	vst v9  }
0x44: {  	s29 =	simm.s32 $0x6140;
	s6 =	simm.s32 $0x191C0;
	s26 =	simm.s32 $0x40;
	v9 =	vld.idx.msk [tilespmem:v23+s15+$0x0], $0xffff;
	[tilespmem:s0+$0xFFFFFFC0] =	vst v17  }
.LBB2_2:
0x45: {  	v15 =	vld [tilespmem:s31+$0x20];
	s30 =	sadd.s32 $0x8, s30;
	[tilespmem:s6+$0xFFFFFFF0] =	vst v3;
	s3 =	sadd.s32 $0x80, s3;
	s28 =	sadd.s32 $0x80, s28  }
0x46: {  	v0 =	vmul.f32 v8, v0;
	v5 =	vmul.f32 v10, v5;
	v3 =	vld [tilespmem:s31+$0xFFFFFFD0];
	p0 =	slt.u32 s30, $0x300;
	[tilespmem:s29+$0xFFFFFFE0] =	vst v14  }
0x47: {  	v8 =	vld [tilespmem:s31+$0xFFFFFFE0];
	[tilespmem:s6+$0x10] =	vst v2;
	v2 =	vmul.f32 v12, v7;
	s6 =	smov.u32 s3  }
0x48: {  	v7 =	vld [tilespmem:s31+$0xFFFFFFF0];
	[tilespmem:s29+$0xFFFFFFD0] =	vst v0;
	v0 =	vmul.f32 v11, v6  }
0x49: {  	v4 =	vmul.f32 v9, v4;
	v10 =	vld [tilespmem:s31+$0x10];
	[tilespmem:s29+$0x10] =	vst v2  }
0x4a: {  	v1 =	vmul.f32 v13, v1;
	v6 =	vld [tilespmem:s31+$0x30];
	[tilespmem:s29+$0x0] =	vst v5  }
0x4b: {  	v5 =	vld [tilespmem:s31+$0x0];
	[tilespmem:s29+$0x30] =	vst v0  }
0x4c: {  	v9 =	vld [tilespmem:s31+$0xFFFFFFC0];
	[tilespmem:s29+$0xFFFFFFF0] =	vst v1  }
0x4d: {  	v11 =	vld.idx.msk [tilespmem:v15+s7+$0x0], $0xffff;
	[tilespmem:s29+$0xFFFFFFC0] =	vst v4;
	s29 =	smov.u32 s28  }
0x4e: {  	v12 =	vld.idx.msk [tilespmem:v3+s7+$0x0], $0xffff  }
0x4f: {  	v0 =	vld.idx.msk [tilespmem:v3+s14+$0x0], $0xffff  }
0x50: {  	v13 =	vld.idx.msk [tilespmem:v8+s14+$0x0], $0xffff  }
0x51: {  	v14 =	vld.idx.msk [tilespmem:v8+s7+$0x0], $0xffff  }
0x52: {  	v3 =	vld.idx.msk [tilespmem:v7+s7+$0x0], $0xffff  }
0x53: {  	v2 =	vld.idx.msk [tilespmem:v10+s7+$0x0], $0xffff  }
0x54: {  	v16 =	vld.idx.msk [tilespmem:v6+s7+$0x0], $0xffff  }
0x55: {  	v4 =	vand.u32 $0x3FFF, v11;
	v17 =	vld.idx.msk [tilespmem:v5+s7+$0x0], $0xffff  }
0x56: {  	v18 =	vld.idx.msk [tilespmem:v9+s7+$0x0], $0xffff  }
0x57: {  	v8 =	vand.u32 $0x3FFF, v14;
	v1 =	vld.idx.msk [tilespmem:v7+s14+$0x0], $0xffff  }
0x58: {  	v7 =	vand.u32 $0x3FFF, v12;
	v15 =	vld.idx.msk [tilespmem:v15+s14+$0x0], $0xffff  }
0x59: {  	v5 =	vld.idx.msk [tilespmem:v5+s14+$0x0], $0xffff  }
0x5a: {  	v19 =	vld.idx.msk [tilespmem:v4+s15+$0x0], $0xffff  }
0x5b: {  	v20 =	vand.u32 $0x3FFF, v2;
	v4 =	vld.idx.msk [tilespmem:v9+s14+$0x0], $0xffff;
	v9 =	vand.u32 $0x3FFF, v17;
	[tilespmem:s3+$0x20] =	vst v11;
	v11 =	vand.u32 $0x3FFF, v16  }
0x5c: {  	v6 =	vld.idx.msk [tilespmem:v6+s14+$0x0], $0xffff  }
0x5d: {  	v21 =	vld.idx.msk [tilespmem:v8+s15+$0x0], $0xffff  }
0x5e: {  	v22 =	vand.u32 $0x3FFF, v18;
	v8 =	vld.idx.msk [tilespmem:v7+s15+$0x0], $0xffff;
	[tilespmem:s3+$0xFFFFFFE0] =	vst v14  }
0x5f: {  	v23 =	vand.u32 $0x3FFF, v3;
	[tilespmem:s3+$0xFFFFFFD0] =	vst v12;
	v7 =	vld.idx.msk [tilespmem:v10+s14+$0x0], $0xffff  }
.Ltmp0:
0x60: {  	v10 =	vld.idx.msk [tilespmem:v9+s15+$0x0], $0xffff;
	v9 =	vmul.f32 v19, v15;
	(pc) =	sbr.rel @p0 .LBB2_2-.Ltmp0, $4  }
0x61: {  	[tilespmem:s3+$0x0] =	vst v17;
	v12 =	vld.idx.msk [tilespmem:v20+s15+$0x0], $0xffff  }
0x62: {  	[tilespmem:s28+$0x20] =	vst v9;
	v11 =	vld.idx.msk [tilespmem:v11+s15+$0x0], $0xffff  }
0x63: {  	v14 =	vmul.f32 v21, v13;
	v9 =	vld.idx.msk [tilespmem:v22+s15+$0x0], $0xffff;
	[tilespmem:s3+$0x30] =	vst v16  }
0x64: {  	s31 =	sadd.s32 $0x80, s31;
	[tilespmem:s3+$0xFFFFFFC0] =	vst v18;
	v13 =	vld.idx.msk [tilespmem:v23+s15+$0x0], $0xffff  }
0x65: {  	[tilespmem:s6+$0xFFFFFFF0] =	vst v3  }
0x66: {  	v0 =	vmul.f32 v8, v0;
	[tilespmem:s29+$0xFFFFFFE0] =	vst v14  }
0x67: {  	[tilespmem:s6+$0x10] =	vst v2;
	v3 =	vmul.f32 v10, v5  }
0x68: {  	v2 =	vmul.f32 v12, v7;
	[tilespmem:s29+$0xFFFFFFD0] =	vst v0  }
0x69: {  	v0 =	vmul.f32 v11, v6;
	[tilespmem:s29+$0x0] =	vst v3  }
0x6a: {  	[tilespmem:s29+$0x10] =	vst v2;
	v2 =	vmul.f32 v9, v4  }
0x6b: {  	v1 =	vmul.f32 v13, v1;
	[tilespmem:s29+$0x30] =	vst v0  }
0x6c: {  	[tilespmem:s29+$0xFFFFFFC0] =	vst v2  }
0x6d: {  	[tilespmem:s29+$0xFFFFFFF0] =	vst v1  }
0x6e: {  	v3 =	vld [tilespmem:s0+$0x30]  }
0x6f: {  	v4 =	vld [tilespmem:s0+$0xFFFFFFD0]  }
0x70: {  	v5 =	vld [tilespmem:s0+$0xFFFFFFE0]  }
0x71: {  	v1 =	vld [tilespmem:s0+$0xFFFFFFF0]  }
0x72: {  	v0 =	vld [tilespmem:s0+$0x0]  }
0x73: {  	v2 =	vld [tilespmem:s0+$0x10];
	[tilespmem:s26+$0x30] =	vst v3  }
0x74: {  	[tilespmem:s26+$0xFFFFFFD0] =	vst v4;
	v3 =	vld [tilespmem:s0+$0x20]  }
0x75: {  	s3 =	simm.s32 $0x0;
	v4 =	vld [tilespmem:s0+$0xFFFFFFC0];
	[tilespmem:s26+$0xFFFFFFE0] =	vst v5;
	s0 =	simm.s32 $0x19240  }
.LBB2_4:
0x76: {  	v5 =	vld [tilespmem:s0+$0x30];
	s3 =	sadd.s32 $0x8, s3;
	[tilespmem:s26+$0xFFFFFFF0] =	vst v1  }
0x77: {  	v6 =	vld [tilespmem:s0+$0xFFFFFFD0];
	p0 =	slt.u32 s3, $0x300;
	[tilespmem:s26+$0x0] =	vst v0  }
0x78: {  	v7 =	vld [tilespmem:s0+$0xFFFFFFE0];
	[tilespmem:s26+$0x10] =	vst v2  }
.Ltmp1:
0x79: {  	v1 =	vld [tilespmem:s0+$0xFFFFFFF0];
	[tilespmem:s26+$0x20] =	vst v3;
	(pc) =	sbr.rel @p0 .LBB2_4-.Ltmp1, $4  }
0x7a: {  	v0 =	vld [tilespmem:s0+$0x0];
	[tilespmem:s26+$0xFFFFFFC0] =	vst v4;
	s26 =	sadd.s32 $0x80, s26  }
0x7b: {  	v2 =	vld [tilespmem:s0+$0x10];
	[tilespmem:s26+$0x30] =	vst v5  }
0x7c: {  	[tilespmem:s26+$0xFFFFFFD0] =	vst v6;
	v3 =	vld [tilespmem:s0+$0x20]  }
0x7d: {  	v4 =	vld [tilespmem:s0+$0xFFFFFFC0];
	[tilespmem:s26+$0xFFFFFFE0] =	vst v7;
	s0 =	sadd.s32 $0x80, s0  }
0x7e: {  	[tilespmem:s26+$0xFFFFFFF0] =	vst v1  }
0x7f: {  	[tilespmem:s26+$0x0] =	vst v0  }
0x80: {  	[tilespmem:s26+$0x10] =	vst v2  }
0x81: {  	[tilespmem:s26+$0x20] =	vst v3  }
0x82: {  	[tilespmem:s26+$0xFFFFFFC0] =	vst v4;
	s26 =	simm.s32 $0x0  }
0x83: {  	[tilespmem:s15], [sflag:$0x1] =	stream.strided.gather [hbm4b:s11+s18], $0x4000, s19, s18, $0x38;
	[tilespmem:$0x1D180] =	vst v63  }
.LBB2_6:
0x84: {  	s0 =	sshll.u32 s26, $0x1  }
0x85: {  	s29 =	sadd.s32 s9, s0  }
0x86: {  	s3 =	sshll.u32 s26, $0x5;
	s0 =	sshll.u32 s29, $0xB  }
0x87: {  	s31 =	sand.u32 $0x60, s3;
	s30 =	sand.u32 $0x7FC000, s0  }
0x88: {  	_ =	swait.ge [sflag:s17], $0x4000;
	s0 =	sor.u32 s31, s30  }
0x89: {  	[sflag:s17] =	ssyncset.done $0x0;
	s28 =	sor.u32 $0x10, s0  }
0x8a: {  	p0 =	seq.s32 s26, $0x0;
	[sflag:s17] =	ssyncadd.s32 $0xFFFFC000;
	s0 =	sadd.s32 s1, s28  }
0x8b: {  	[tilespmem:s20], [sflag:$0x2] =	stream.strided.gather [hbm4b:s0+s18], $0x4000, s19, s18, $0x38;
	[tilespmem:$0x1D180] =	vst v63  }
0x8c: {  	s0 =	simm.s32 @!p0 $0x3  }
0x8d: {  	_ =	swait.ge @!p0 [sflag:s0], $0x4000  }
0x8e: {  	[sflag:s0] =	ssyncset.done @!p0 $0x0  }
0x8f: {  	s13 =	simm.s32 $0x91C0;
	[sflag:s0] =	ssyncadd.s32 @!p0 $0xFFFFC000  }
0x90: {  	v3 =	vld [tilespmem:s13+$0x30]  }
0x91: {  	v4 =	vld [tilespmem:s13+$0xFFFFFFD0]  }
0x92: {  	v5 =	vld [tilespmem:s13+$0xFFFFFFE0]  }
0x93: {  	v0 =	vld [tilespmem:s13+$0xFFFFFFF0]  }
0x94: {  	s3 =	simm.s32 $0x151C0;
	v1 =	vld [tilespmem:s13+$0x0]  }
0x95: {  	v2 =	vld [tilespmem:s13+$0x10];
	[tilespmem:s3+$0x30] =	vst v3  }
0x96: {  	[tilespmem:s3+$0xFFFFFFD0] =	vst v4;
	v3 =	vld [tilespmem:s13+$0x20]  }
0x97: {  	s6 =	simm.s32 $0x0;
	s4 =	simm.s32 $0x9240;
	v4 =	vld [tilespmem:s13+$0xFFFFFFC0];
	[tilespmem:s3+$0xFFFFFFE0] =	vst v5  }
.LBB2_7:
0x98: {  	v5 =	vld [tilespmem:s4+$0x30];
	s6 =	sadd.s32 $0x8, s6;
	[tilespmem:s3+$0xFFFFFFF0] =	vst v0  }
0x99: {  	v6 =	vld [tilespmem:s4+$0xFFFFFFD0];
	p0 =	slt.u32 s6, $0x3F8;
	[tilespmem:s3+$0x0] =	vst v1  }
0x9a: {  	v7 =	vld [tilespmem:s4+$0xFFFFFFE0];
	[tilespmem:s3+$0x10] =	vst v2  }
.Ltmp2:
0x9b: {  	v0 =	vld [tilespmem:s4+$0xFFFFFFF0];
	[tilespmem:s3+$0x20] =	vst v3;
	(pc) =	sbr.rel @p0 .LBB2_7-.Ltmp2, $4  }
0x9c: {  	v1 =	vld [tilespmem:s4+$0x0];
	[tilespmem:s3+$0xFFFFFFC0] =	vst v4;
	s3 =	sadd.s32 $0x80, s3  }
0x9d: {  	s13 =	simm.s32 $0x40;
	s0 =	simm.s32 $0x6140;
	v2 =	vld [tilespmem:s4+$0x10];
	[tilespmem:s3+$0x30] =	vst v5  }
0x9e: {  	[tilespmem:s3+$0xFFFFFFD0] =	vst v6;
	v3 =	vld [tilespmem:s4+$0x20]  }
0x9f: {  	v4 =	vld [tilespmem:s4+$0xFFFFFFC0];
	[tilespmem:s3+$0xFFFFFFE0] =	vst v7;
	s4 =	sadd.s32 $0x80, s4  }
0xa0: {  	[tilespmem:s3+$0xFFFFFFF0] =	vst v0  }
0xa1: {  	[tilespmem:s3+$0x0] =	vst v1  }
0xa2: {  	[tilespmem:s3+$0x10] =	vst v2  }
0xa3: {  	[tilespmem:s3+$0x20] =	vst v3  }
0xa4: {  	[tilespmem:s3+$0xFFFFFFC0] =	vst v4  }
0xa5: {  	v0 =	vld [tilespmem:s13+$0x30]  }
0xa6: {  	v1 =	vld [tilespmem:s13+$0xFFFFFFD0]  }
0xa7: {  	v2 =	vld [tilespmem:s13+$0xFFFFFFE0]  }
0xa8: {  	v3 =	vld [tilespmem:s13+$0xFFFFFFF0]  }
0xa9: {  	v4 =	vld [tilespmem:s13+$0x0]  }
0xaa: {  	v6 =	vld [tilespmem:s13+$0x10];
	v5 =	vand.u32 $0x3FFF, v0  }
0xab: {  	v8 =	vld [tilespmem:s13+$0xFFFFFFC0]  }
0xac: {  	v10 =	vld [tilespmem:s13+$0x20]  }
0xad: {  	v14 =	vld [tilespmem:s0+$0x30]  }
0xae: {  	v60 =	vld [tilespmem:s0+$0xFFFFFFD0]  }
0xaf: {  	v5 =	vld.idx.msk [tilespmem:v5+s15+$0x0], $0xffff  }
0xb0: {  	v61 =	vld [tilespmem:s0+$0xFFFFFFE0];
	v15 =	vand.u32 $0x3FFF, v8  }
0xb1: {  	v17 =	vld [tilespmem:s0+$0xFFFFFFF0];
	v0 =	vshrl.u32 v0, $0xE  }
0xb2: {  	v18 =	vld [tilespmem:s0+$0x0]  }
0xb3: {  	v62 =	vld [tilespmem:s0+$0x10];
	v7 =	vand.u32 $0x3FFF, v1  }
0xb4: {  	v63 =	vld [tilespmem:s0+$0x20];
	v9 =	vand.u32 $0x3FFF, v2;
	v5 =	vmul.f32 v14, v5  }
0xb5: {  	v11 =	vand.u32 $0x3FFF, v3;
	v59 =	vld.idx.msk [tilespmem:v15+s15+$0x0], $0xffff  }
0xb6: {  	v12 =	vand.u32 $0x3FFF, v4;
	[tilespmem:v0+s14+$0x0] =	vst.idx.add.f32.msk $0xffff, v5  }
0xb7: {  	v13 =	vand.u32 $0x3FFF, v6;
	v0 =	vld [tilespmem:s0+$0xFFFFFFC0]  }
0xb8: {  	v16 =	vand.u32 $0x3FFF, v10;
	v7 =	vld.idx.msk [tilespmem:v7+s15+$0x0], $0xffff  }
0xb9: {  	v8 =	vshrl.u32 v8, $0xE;
	v9 =	vld.idx.msk [tilespmem:v9+s15+$0x0], $0xffff  }
0xba: {  	v1 =	vshrl.u32 v1, $0xE;
	v11 =	vld.idx.msk [tilespmem:v11+s15+$0x0], $0xffff  }
0xbb: {  	v2 =	vshrl.u32 v2, $0xE;
	v12 =	vld.idx.msk [tilespmem:v12+s15+$0x0], $0xffff  }
0xbc: {  	v3 =	vshrl.u32 v3, $0xE;
	v13 =	vld.idx.msk [tilespmem:v13+s15+$0x0], $0xffff;
	v0 =	vmul.f32 v0, v59  }
0xbd: {  	v4 =	vshrl.u32 v4, $0xE;
	v7 =	vmul.f32 v60, v7;
	v5 =	vld.idx.msk [tilespmem:v16+s15+$0x0], $0xffff  }
0xbe: {  	[tilespmem:v8+s14+$0x0] =	vst.idx.add.f32.msk $0xffff, v0;
	v0 =	vmul.f32 v61, v9  }
0xbf: {  	[tilespmem:v1+s14+$0x0] =	vst.idx.add.f32.msk $0xffff, v7;
	v1 =	vmul.f32 v17, v11  }
0xc0: {  	[tilespmem:v2+s14+$0x0] =	vst.idx.add.f32.msk $0xffff, v0;
	v2 =	vmul.f32 v18, v12  }
0xc1: {  	[tilespmem:v3+s14+$0x0] =	vst.idx.add.f32.msk $0xffff, v1;
	v1 =	vshrl.u32 v10, $0xE  }
0xc2: {  	s6 =	simm.s32 $0xC0;
	s3 =	simm.s32 $0x0;
	v3 =	vmul.f32 v62, v13;
	v0 =	vshrl.u32 v6, $0xE;
	[tilespmem:v4+s14+$0x0] =	vst.idx.add.f32.msk $0xffff, v2;
	v2 =	vmul.f32 v63, v5  }
.LBB2_9:
0xc3: {  	v4 =	vld [tilespmem:s6+$0x30];
	s3 =	sadd.s32 $0x8, s3  }
0xc4: {  	v5 =	vld [tilespmem:s6+$0xFFFFFFD0];
	p0 =	slt.u32 s3, $0x300  }
0xc5: {  	v6 =	vld [tilespmem:s6+$0xFFFFFFE0]  }
0xc6: {  	v7 =	vld [tilespmem:s6+$0xFFFFFFF0]  }
0xc7: {  	v8 =	vld [tilespmem:s6+$0x0]  }
0xc8: {  	v9 =	vld [tilespmem:s6+$0x10];
	v10 =	vand.u32 $0x3FFF, v4  }
0xc9: {  	v11 =	vshrl.u32 v5, $0xE;
	v5 =	vand.u32 $0x3FFF, v5;
	v12 =	vld [tilespmem:s6+$0x20]  }
0xca: {  	v13 =	vld [tilespmem:s6+$0xFFFFFFC0];
	v14 =	vshrl.u32 v6, $0xE;
	v6 =	vand.u32 $0x3FFF, v6  }
0xcb: {  	v15 =	vshrl.u32 v7, $0xE;
	v7 =	vand.u32 $0x3FFF, v7;
	[tilespmem:v0+s14+$0x0] =	vst.idx.add.f32.msk $0xffff, v3  }
0xcc: {  	v16 =	vshrl.u32 v8, $0xE;
	v3 =	vand.u32 $0x3FFF, v8;
	[tilespmem:v1+s14+$0x0] =	vst.idx.add.f32.msk $0xffff, v2  }
0xcd: {  	s0 =	sadd.s32 $0x80, s0;
	v0 =	vshrl.u32 v9, $0xE;
	v2 =	vand.u32 $0x3FFF, v9;
	v8 =	vld.idx.msk [tilespmem:v10+s15+$0x0], $0xffff  }
0xce: {  	v1 =	vshrl.u32 v12, $0xE;
	v9 =	vand.u32 $0x3FFF, v12;
	v10 =	vld [tilespmem:s0+$0x30]  }
0xcf: {  	v12 =	vshrl.u32 v13, $0xE;
	v13 =	vand.u32 $0x3FFF, v13;
	v5 =	vld.idx.msk [tilespmem:v5+s15+$0x0], $0xffff  }
0xd0: {  	v4 =	vshrl.u32 v4, $0xE;
	v6 =	vld.idx.msk [tilespmem:v6+s15+$0x0], $0xffff  }
0xd1: {  	v7 =	vld.idx.msk [tilespmem:v7+s15+$0x0], $0xffff  }
0xd2: {  	v3 =	vld.idx.msk [tilespmem:v3+s15+$0x0], $0xffff  }
0xd3: {  	v2 =	vld.idx.msk [tilespmem:v2+s15+$0x0], $0xffff;
	v8 =	vmul.f32 v10, v8  }
0xd4: {  	v10 =	vld.idx.msk [tilespmem:v13+s15+$0x0], $0xffff  }
0xd5: {  	[tilespmem:v4+s14+$0x0] =	vst.idx.add.f32.msk $0xffff, v8  }
0xd6: {  	v4 =	vld.idx.msk [tilespmem:v9+s15+$0x0], $0xffff  }
0xd7: {  	v8 =	vld [tilespmem:s0+$0xFFFFFFC0]  }
0xd8: {  	v9 =	vld [tilespmem:s0+$0xFFFFFFD0]  }
0xd9: {  	v13 =	vld [tilespmem:s0+$0xFFFFFFE0]  }
0xda: {  	v17 =	vld [tilespmem:s0+$0xFFFFFFF0]  }
0xdb: {  	v18 =	vld [tilespmem:s0+$0x0]  }
0xdc: {  	v8 =	vmul.f32 v8, v10;
	v10 =	vld [tilespmem:s0+$0x10]  }
0xdd: {  	v5 =	vmul.f32 v9, v5;
	v9 =	vld [tilespmem:s0+$0x20]  }
.Ltmp3:
0xde: {  	[tilespmem:v12+s14+$0x0] =	vst.idx.add.f32.msk $0xffff, v8;
	v6 =	vmul.f32 v13, v6;
	(pc) =	sbr.rel @p0 .LBB2_9-.Ltmp3, $4  }
0xdf: {  	[tilespmem:v11+s14+$0x0] =	vst.idx.add.f32.msk $0xffff, v5;
	v5 =	vmul.f32 v17, v7  }
0xe0: {  	[tilespmem:v14+s14+$0x0] =	vst.idx.add.f32.msk $0xffff, v6;
	v6 =	vmul.f32 v18, v3  }
0xe1: {  	[tilespmem:v15+s14+$0x0] =	vst.idx.add.f32.msk $0xffff, v5;
	v3 =	vmul.f32 v10, v2  }
0xe2: {  	s6 =	sadd.s32 $0x80, s6;
	[tilespmem:v16+s14+$0x0] =	vst.idx.add.f32.msk $0xffff, v6;
	v2 =	vmul.f32 v9, v4  }
0xe3: {  	_ =	sdelay $0x3  }
0xe4: {  	[tilespmem:v0+s14+$0x0] =	vst.idx.add.f32.msk $0xffff, v3;
	s0 =	sadd.s32 s5, s31  }
0xe5: {  	p0 =	seq.s32 s26, $0x3F;
	[tilespmem:v1+s14+$0x0] =	vst.idx.add.f32.msk $0xffff, v2;
	s0 =	sadd.s32 s30, s0  }
0xe6: {  	[hbm4b:s0+s18] =	stream.strided.scatter [tilespmem:s14], [sflag:$0x3], $0x4000, s19, s18, $0x38;
	[tilespmem:$0x1D180] =	vst v63  }
0xe7: {  	p1 =	seq.s32 @!p0 s26, $0x0;
	s0 =	sadd.s32 @!p0 $0x2, s29  }
0xe8: {  	s4 =	simm.s32 @!p0 $0x400;
	s6 =	simm.s32 @!p0 $0xD180;
	s3 =	sshll.u32 @!p0 s0, $0x4  }
0xe9: {  	_ =	swait.ge [sflag:s21], $0x4000;
	s0 =	sshll.u32 @!p0 s0, $0xB;
	s3 =	sand.u32 @!p0 $0x60, s3  }
0xea: {  	[sflag:s21] =	ssyncset.done $0x0;
	s0 =	sand.u32 @!p0 $0xFFFC000, s0;
	s3 =	sadd.s32 @!p0 s1, s3  }
0xeb: {  	[sflag:s21] =	ssyncadd.s32 $0xFFFFC000;
	s0 =	sadd.s32 @!p0 s0, s3;
	s3 =	simm.s32 @!p0 $0x80  }
0xec: {  	[tilespmem:s6], [sflag:$0x1] =	stream.strided.gather @!p0 [hbm4b:s0+s3], $0x4000, s4, s3, $0x38;
	[tilespmem:$0x1D180] =	vst v63  }
0xed: {  	p0 =	por p0, !p1  }
0xee: {  	_ =	swait.ge @p0 [sflag:s24], $0x4000  }
0xef: {  	[sflag:s24] =	ssyncset.done @p0 $0x0  }
0xf0: {  	s31 =	simm.s32 $0x91C0;
	[sflag:s24] =	ssyncadd.s32 @p0 $0xFFFFC000  }
0xf1: {  	v3 =	vld [tilespmem:s31+$0x30]  }
0xf2: {  	v4 =	vld [tilespmem:s31+$0xFFFFFFD0]  }
0xf3: {  	v5 =	vld [tilespmem:s31+$0xFFFFFFE0]  }
0xf4: {  	v0 =	vld [tilespmem:s31+$0xFFFFFFF0]  }
0xf5: {  	s3 =	simm.s32 $0x191C0;
	v1 =	vld [tilespmem:s31+$0x0]  }
0xf6: {  	v2 =	vld [tilespmem:s31+$0x10];
	[tilespmem:s3+$0x30] =	vst v3  }
0xf7: {  	[tilespmem:s3+$0xFFFFFFD0] =	vst v4;
	v3 =	vld [tilespmem:s31+$0x20]  }
0xf8: {  	s6 =	simm.s32 $0x0;
	s4 =	simm.s32 $0x9240;
	v4 =	vld [tilespmem:s31+$0xFFFFFFC0];
	[tilespmem:s3+$0xFFFFFFE0] =	vst v5  }
.LBB2_11:
0xf9: {  	v5 =	vld [tilespmem:s4+$0x30];
	s6 =	sadd.s32 $0x8, s6;
	[tilespmem:s3+$0xFFFFFFF0] =	vst v0  }
0xfa: {  	v6 =	vld [tilespmem:s4+$0xFFFFFFD0];
	p0 =	slt.u32 s6, $0x3F8;
	[tilespmem:s3+$0x0] =	vst v1  }
0xfb: {  	v7 =	vld [tilespmem:s4+$0xFFFFFFE0];
	[tilespmem:s3+$0x10] =	vst v2  }
.Ltmp4:
0xfc: {  	v0 =	vld [tilespmem:s4+$0xFFFFFFF0];
	[tilespmem:s3+$0x20] =	vst v3;
	(pc) =	sbr.rel @p0 .LBB2_11-.Ltmp4, $4  }
0xfd: {  	v1 =	vld [tilespmem:s4+$0x0];
	[tilespmem:s3+$0xFFFFFFC0] =	vst v4;
	s3 =	sadd.s32 $0x80, s3  }
0xfe: {  	s13 =	simm.s32 $0x40;
	s0 =	simm.s32 $0x6140;
	v2 =	vld [tilespmem:s4+$0x10];
	[tilespmem:s3+$0x30] =	vst v5  }
0xff: {  	[tilespmem:s3+$0xFFFFFFD0] =	vst v6;
	v3 =	vld [tilespmem:s4+$0x20]  }
0x100: {  	v4 =	vld [tilespmem:s4+$0xFFFFFFC0];
	[tilespmem:s3+$0xFFFFFFE0] =	vst v7;
	s4 =	sadd.s32 $0x80, s4  }
0x101: {  	[tilespmem:s3+$0xFFFFFFF0] =	vst v0  }
0x102: {  	[tilespmem:s3+$0x0] =	vst v1  }
0x103: {  	[tilespmem:s3+$0x10] =	vst v2  }
0x104: {  	[tilespmem:s3+$0x20] =	vst v3  }
0x105: {  	[tilespmem:s3+$0xFFFFFFC0] =	vst v4  }
0x106: {  	v0 =	vld [tilespmem:s13+$0x30]  }
0x107: {  	v1 =	vld [tilespmem:s13+$0xFFFFFFD0]  }
0x108: {  	v2 =	vld [tilespmem:s13+$0xFFFFFFE0]  }
0x109: {  	v3 =	vld [tilespmem:s13+$0xFFFFFFF0]  }
0x10a: {  	v4 =	vld [tilespmem:s13+$0x0]  }
0x10b: {  	v6 =	vld [tilespmem:s13+$0x10]  }
0x10c: {  	v8 =	vld [tilespmem:s13+$0xFFFFFFC0]  }
0x10d: {  	v10 =	vld [tilespmem:s13+$0x20];
	v5 =	vand.u32 $0x3FFF, v0  }
0x10e: {  	v14 =	vld [tilespmem:s0+$0x30]  }
0x10f: {  	v59 =	vld [tilespmem:s0+$0xFFFFFFD0]  }
0x110: {  	v60 =	vld [tilespmem:s0+$0xFFFFFFE0]  }
0x111: {  	v17 =	vld [tilespmem:s0+$0xFFFFFFF0];
	v7 =	vand.u32 $0x3FFF, v1  }
0x112: {  	v12 =	vand.u32 $0x3FFF, v4;
	v5 =	vld.idx.msk [tilespmem:v5+s20+$0x0], $0xffff  }
0x113: {  	v18 =	vld [tilespmem:s0+$0x0];
	v15 =	vand.u32 $0x3FFF, v8  }
0x114: {  	v61 =	vld [tilespmem:s0+$0x10];
	v0 =	vshrl.u32 v0, $0xE  }
0x115: {  	v62 =	vld [tilespmem:s0+$0x20]  }
0x116: {  	v11 =	vand.u32 $0x3FFF, v3;
	v7 =	vld.idx.msk [tilespmem:v7+s20+$0x0], $0xffff  }
0x117: {  	v9 =	vand.u32 $0x3FFF, v2;
	v12 =	vld.idx.msk [tilespmem:v12+s20+$0x0], $0xffff;
	v5 =	vmul.f32 v14, v5  }
0x118: {  	v13 =	vand.u32 $0x3FFF, v6;
	v58 =	vld.idx.msk [tilespmem:v15+s20+$0x0], $0xffff  }
0x119: {  	v16 =	vand.u32 $0x3FFF, v10;
	[tilespmem:v0+s22+$0x0] =	vst.idx.add.f32.msk $0xffff, v5  }
0x11a: {  	v1 =	vshrl.u32 v1, $0xE;
	v0 =	vld [tilespmem:s0+$0xFFFFFFC0]  }
0x11b: {  	v4 =	vshrl.u32 v4, $0xE;
	v11 =	vld.idx.msk [tilespmem:v11+s20+$0x0], $0xffff  }
0x11c: {  	v8 =	vshrl.u32 v8, $0xE;
	v9 =	vld.idx.msk [tilespmem:v9+s20+$0x0], $0xffff  }
0x11d: {  	v3 =	vshrl.u32 v3, $0xE;
	v13 =	vld.idx.msk [tilespmem:v13+s20+$0x0], $0xffff;
	v7 =	vmul.f32 v59, v7  }
0x11e: {  	v2 =	vshrl.u32 v2, $0xE;
	v63 =	vmul.f32 v18, v12;
	v5 =	vld.idx.msk [tilespmem:v16+s20+$0x0], $0xffff  }
0x11f: {  	[tilespmem:v1+s22+$0x0] =	vst.idx.add.f32.msk $0xffff, v7;
	v0 =	vmul.f32 v0, v58  }
0x120: {  	v1 =	vmul.f32 v17, v11;
	[tilespmem:v4+s22+$0x0] =	vst.idx.add.f32.msk $0xffff, v63  }
0x121: {  	[tilespmem:v8+s22+$0x0] =	vst.idx.add.f32.msk $0xffff, v0;
	v0 =	vmul.f32 v60, v9  }
0x122: {  	[tilespmem:v3+s22+$0x0] =	vst.idx.add.f32.msk $0xffff, v1;
	v1 =	vshrl.u32 v10, $0xE  }
0x123: {  	s6 =	simm.s32 $0xC0;
	s3 =	simm.s32 $0x0;
	v3 =	vmul.f32 v62, v5;
	[tilespmem:v2+s22+$0x0] =	vst.idx.add.f32.msk $0xffff, v0;
	v0 =	vshrl.u32 v6, $0xE;
	v2 =	vmul.f32 v61, v13  }
.LBB2_13:
0x124: {  	v4 =	vld [tilespmem:s6+$0x30];
	s3 =	sadd.s32 $0x8, s3  }
0x125: {  	v5 =	vld [tilespmem:s6+$0xFFFFFFD0];
	p0 =	slt.u32 s3, $0x300  }
0x126: {  	v6 =	vld [tilespmem:s6+$0xFFFFFFE0]  }
0x127: {  	v7 =	vld [tilespmem:s6+$0xFFFFFFF0]  }
0x128: {  	v8 =	vld [tilespmem:s6+$0x0]  }
0x129: {  	v9 =	vld [tilespmem:s6+$0x10];
	v10 =	vand.u32 $0x3FFF, v4  }
0x12a: {  	v11 =	vshrl.u32 v5, $0xE;
	v5 =	vand.u32 $0x3FFF, v5;
	v12 =	vld [tilespmem:s6+$0x20]  }
0x12b: {  	v13 =	vld [tilespmem:s6+$0xFFFFFFC0];
	v14 =	vshrl.u32 v6, $0xE;
	v6 =	vand.u32 $0x3FFF, v6  }
0x12c: {  	v15 =	vshrl.u32 v7, $0xE;
	v7 =	vand.u32 $0x3FFF, v7;
	[tilespmem:v0+s22+$0x0] =	vst.idx.add.f32.msk $0xffff, v2  }
0x12d: {  	v16 =	vshrl.u32 v8, $0xE;
	v2 =	vand.u32 $0x3FFF, v8;
	[tilespmem:v1+s22+$0x0] =	vst.idx.add.f32.msk $0xffff, v3  }
0x12e: {  	s0 =	sadd.s32 $0x80, s0;
	v0 =	vshrl.u32 v9, $0xE;
	v3 =	vand.u32 $0x3FFF, v9;
	v8 =	vld.idx.msk [tilespmem:v10+s20+$0x0], $0xffff  }
0x12f: {  	v1 =	vshrl.u32 v12, $0xE;
	v9 =	vand.u32 $0x3FFF, v12;
	v10 =	vld [tilespmem:s0+$0x30]  }
0x130: {  	v12 =	vshrl.u32 v13, $0xE;
	v13 =	vand.u32 $0x3FFF, v13;
	v5 =	vld.idx.msk [tilespmem:v5+s20+$0x0], $0xffff  }
0x131: {  	v4 =	vshrl.u32 v4, $0xE;
	v6 =	vld.idx.msk [tilespmem:v6+s20+$0x0], $0xffff  }
0x132: {  	v7 =	vld.idx.msk [tilespmem:v7+s20+$0x0], $0xffff  }
0x133: {  	v2 =	vld.idx.msk [tilespmem:v2+s20+$0x0], $0xffff  }
0x134: {  	v3 =	vld.idx.msk [tilespmem:v3+s20+$0x0], $0xffff;
	v8 =	vmul.f32 v10, v8  }
0x135: {  	v10 =	vld.idx.msk [tilespmem:v13+s20+$0x0], $0xffff  }
0x136: {  	[tilespmem:v4+s22+$0x0] =	vst.idx.add.f32.msk $0xffff, v8  }
0x137: {  	v4 =	vld.idx.msk [tilespmem:v9+s20+$0x0], $0xffff  }
0x138: {  	v8 =	vld [tilespmem:s0+$0xFFFFFFC0]  }
0x139: {  	v9 =	vld [tilespmem:s0+$0xFFFFFFD0]  }
0x13a: {  	v13 =	vld [tilespmem:s0+$0xFFFFFFE0]  }
0x13b: {  	v17 =	vld [tilespmem:s0+$0xFFFFFFF0]  }
0x13c: {  	v18 =	vld [tilespmem:s0+$0x0]  }
0x13d: {  	v8 =	vmul.f32 v8, v10;
	v10 =	vld [tilespmem:s0+$0x10]  }
0x13e: {  	v5 =	vmul.f32 v9, v5;
	v9 =	vld [tilespmem:s0+$0x20]  }
.Ltmp5:
0x13f: {  	[tilespmem:v12+s22+$0x0] =	vst.idx.add.f32.msk $0xffff, v8;
	v6 =	vmul.f32 v13, v6;
	(pc) =	sbr.rel @p0 .LBB2_13-.Ltmp5, $4  }
0x140: {  	[tilespmem:v11+s22+$0x0] =	vst.idx.add.f32.msk $0xffff, v5;
	v5 =	vmul.f32 v17, v7  }
0x141: {  	[tilespmem:v14+s22+$0x0] =	vst.idx.add.f32.msk $0xffff, v6;
	v6 =	vmul.f32 v18, v2  }
0x142: {  	[tilespmem:v15+s22+$0x0] =	vst.idx.add.f32.msk $0xffff, v5;
	v2 =	vmul.f32 v10, v3  }
0x143: {  	s6 =	sadd.s32 $0x80, s6;
	[tilespmem:v16+s22+$0x0] =	vst.idx.add.f32.msk $0xffff, v6;
	v3 =	vmul.f32 v9, v4  }
0x144: {  	s26 =	sadd.s32 $0x1, s26  }
0x145: {  	p0 =	sne.s32 s26, $0x40  }
.Ltmp6:
0x146: {  	_ = 	snop;
	(pc) =	sbr.rel @p0 .LBB2_6-.Ltmp6, $4  }
0x147: {  	_ = 	snop  }
0x148: {  	[tilespmem:v0+s22+$0x0] =	vst.idx.add.f32.msk $0xffff, v2  }
0x149: {  	s0 =	sadd.s32 s5, s28;
	[tilespmem:v1+s22+$0x0] =	vst.idx.add.f32.msk $0xffff, v3  }
0x14a: {  	[hbm4b:s0+s18] =	stream.strided.scatter [tilespmem:s22], [sflag:$0x4], $0x4000, s19, s18, $0x38;
	[tilespmem:$0x1D180] =	vst v63  }
0x14b: {  	s25 =	sadd.s32 $0x1, s25  }
0x14c: {  	_ =	swait.ge [sflag:s23], $0x4000;
	p0 =	sne.s32 s25, s12  }
.Ltmp7:
0x14d: {  	[sflag:s23] =	ssyncset.done $0x0;
	(pc) =	sbr.rel @p0 .LBB2_1-.Ltmp7, $4  }
0x14e: {  	[sflag:s23] =	ssyncadd.s32 $0xFFFFC000  }
0x14f: {  	_ =	swait.ge [sflag:s24], $0x4000  }
0x150: {  	[sflag:s24] =	ssyncset.done $0x0  }
0x151: {  	[sflag:s24] =	ssyncadd.s32 $0xFFFFC000  }
0x152: {  	_ =	sfence.sel $0x180000  }
0x153: {  	[bflag:$0x0] =	sbarrier.arrive $0xFFFF  }
0x154: {  	_ =	strace $0x90000047  }
0x155: {  	s0 =	stileid.u32;
	[bflag:$0x2] =	sbarrier.arrive $0xFFFF  }
0x156: {  	p0 =	sne.s32 s0, $0x0;
	s0 =	rddreg [dreg:$0x5]  }
0x157: {  	s0 =	sadd.s32 @!p0 $0x100000, s0  }
0x158: {  	[sflag:s0] =	ssyncadd.tile.s32 @!p0 $0x1;
	_ =	shalt  }
.Lfunc_end2:
_tile_overlayer_lowered:
.L_overlay_start_2:
0x159: {  	(tag) =	ssettag $0x2  }
0x15a: {  	s0 =	rddreg [dreg:$0x0];
	s2 =	stileid.u32  }
0x15b: {  	s1 =	rddreg [dreg:$0x1];
	p0 =	sne.s32 s2, $0x0  }
0x15c: {  	s3 =	rddreg [dreg:$0x2];
	[bflag:$0x3] =	sbarrier.arrive $0xFFFF;
	s2 =	simm.s32 @!p0 $0x1C05  }
0x15d: {  	[timem:s3], [sflag:s2] =	dma.local @!p0 [hbm:s0], s1  }
0x15e: {  	s0 =	simm.s32 @!p0 $0x5  }
0x15f: {  	_ =	swait.ge @!p0 [sflag:s0], s1  }
0x160: {  	s1 =	ssub.s32 @!p0 $0x0, s1;
	[sflag:s0] =	ssyncset.done @!p0 $0x0  }
0x161: {  	[sflag:s0] =	ssyncadd.s32 @!p0 s1  }
0x162: {  	[bflag:$0x3] =	sbarrier.arrive $0xFFFF  }
0x163: {  	_ =	shalt  }

</sc_bundles>
